<compile_context>
chip_gen: v7x
topology: tpu7x:2x2x1
jax: 0.10.2.dev20260603
libtpu: 0.0.44.dev20260713+nightly
codegen_flags: <defaults>
</compile_context>

<pallas_src>
import functools

import jax
import jax.numpy as jnp
from jax import lax
from jax.experimental import pallas as pl
from jax.experimental.pallas import tpu as pltpu
from jax.experimental.pallas import tpu_sc as plsc

NN = 10000
EE = 320000
D = 128
DH = D // 2
NC = 2
NS = 16
NW = NC * NS
L = 16

NP = 10240
CH = 128
EP = 327680
NCH = EP // CH
NCH_T = NCH // NW
NCH_S = NCH // NS
NPT = NP // NS

_MESH = plsc.VectorSubcoreMesh(core_axis_name="c", subcore_axis_name="s")


def _tc_project_body(x_ref, w_ref, att2_ref, xp_ref, a2_ref):
    xp = jnp.dot(x_ref[...], w_ref[...], preferred_element_type=jnp.float32)
    xp_ref[0] = xp[:, :DH]
    xp_ref[1] = xp[:, DH:]
    a2_ref[...] = jnp.dot(xp, att2_ref[...], preferred_element_type=jnp.float32)


def _tc_project(xpad, W, att2):
    return pl.pallas_call(
        _tc_project_body,
        grid=(NP // 1024,),
        in_specs=[
            pl.BlockSpec((1024, D), lambda i: (i, 0)),
            pl.BlockSpec((D, D), lambda i: (0, 0)),
            pl.BlockSpec((D, 2), lambda i: (0, 0)),
        ],
        out_specs=[
            pl.BlockSpec((2, 1024, DH), lambda i: (0, i, 0)),
            pl.BlockSpec((1024, 2), lambda i: (i, 0)),
        ],
        out_shape=[
            jax.ShapeDtypeStruct((2, NP, DH), jnp.float32),
            jax.ShapeDtypeStruct((NP, 2), jnp.float32),
        ],
    )(xpad, W, att2)


@functools.partial(
    pl.kernel,
    out_type=[
        jax.ShapeDtypeStruct((NCH, CH), jnp.float32),
        jax.ShapeDtypeStruct((2, NP), jnp.float32),
    ],
    mesh=_MESH,
    compiler_params=pltpu.CompilerParams(needs_layout_passes=False, use_tc_tiling_on_sc=False),
    scratch_types=[
        pltpu.VMEM((NP,), jnp.float32),
        pltpu.VMEM((NP,), jnp.float32),
        pltpu.VMEM((NCH_T, CH), jnp.int32),
        pltpu.VMEM((NCH_T, CH), jnp.int32),
        pltpu.VMEM((NCH_T, CH), jnp.float32),
        pltpu.VMEM((NPT,), jnp.float32),
        pltpu.VMEM_SHARED((NP,), jnp.float32),
    ],
)
def _sc_edge_logits(asrc_h, adst_h, srcp_h, dstp_h, ex_h, den2_h,
                    asrc_v, adst_v, srcb, dstb, exb, ztile, denom_sh):
    c = lax.axis_index("c")
    s = lax.axis_index("s")
    wid = s * NC + c

    zero16 = jnp.zeros((L,), jnp.float32)

    def zbody(i, carry):
        ztile[pl.ds(i * L, L)] = zero16
        return carry

    lax.fori_loop(0, NPT // L, zbody, 0)
    pltpu.sync_copy(ztile, denom_sh.at[pl.ds(s * NPT, NPT)])

    pltpu.sync_copy(asrc_h, asrc_v)
    pltpu.sync_copy(adst_h, adst_v)
    pltpu.sync_copy(srcp_h.at[pl.ds(wid * NCH_T, NCH_T)], srcb)
    pltpu.sync_copy(dstp_h.at[pl.ds(wid * NCH_T, NCH_T)], dstb)
    plsc.subcore_barrier()

    def chunk(ci, carry):
        for k in range(CH // L):
            si = srcb[ci, pl.ds(k * L, L)]
            di = dstb[ci, pl.ds(k * L, L)]
            av = plsc.load_gather(asrc_v, [si])
            bv = plsc.load_gather(adst_v, [di])
            e = av + bv
            e = jnp.where(e < 0, e * jnp.float32(0.2), e)
            exb[ci, pl.ds(k * L, L)] = jnp.exp(e)
        pltpu.sync_copy(exb.at[ci], denom_sh.at[dstb.at[ci]], add=True)
        return carry

    lax.fori_loop(0, NCH_T, chunk, 0)
    pltpu.sync_copy(exb, ex_h.at[pl.ds(wid * NCH_T, NCH_T)])
    plsc.subcore_barrier()
    pltpu.sync_copy(denom_sh.at[pl.ds(s * NPT, NPT)], ztile)
    pltpu.sync_copy(ztile, den2_h.at[c, pl.ds(s * NPT, NPT)])


@functools.partial(
    pl.kernel,
    out_type=jax.ShapeDtypeStruct((2, NP, DH), jnp.float32),
    mesh=_MESH,
    compiler_params=pltpu.CompilerParams(needs_layout_passes=False, use_tc_tiling_on_sc=False),
    scratch_types=[
        pltpu.VMEM((NCH_S, CH), jnp.int32),
        pltpu.VMEM((NCH_S, CH), jnp.int32),
        pltpu.VMEM((NCH_S, CH), jnp.float32),
        pltpu.VMEM((NP,), jnp.float32),
        pltpu.VMEM((NP,), jnp.float32),
        pltpu.VMEM((CH, DH), jnp.float32),
        pltpu.VMEM_SHARED((NP, DH), jnp.float32),
        pltpu.SemaphoreType.DMA,
    ],
)
def _sc_aggregate(xph_h, ex_h, den2_h, srcp_h, dstp_h, out_h,
                  srcb, dstb, exb, denA, denB, rows, acc_sh, sem):
    c = lax.axis_index("c")
    s = lax.axis_index("s")

    pltpu.sync_copy(ex_h.at[pl.ds(s * NCH_S, NCH_S)], exb)
    pltpu.sync_copy(srcp_h.at[pl.ds(s * NCH_S, NCH_S)], srcb)
    pltpu.sync_copy(dstp_h.at[pl.ds(s * NCH_S, NCH_S)], dstb)
    pltpu.sync_copy(den2_h.at[0], denA)
    pltpu.sync_copy(den2_h.at[1], denB)

    def dsum(i, carry):
        denA[pl.ds(i * L, L)] = (denA[pl.ds(i * L, L)] + denB[pl.ds(i * L, L)]
                                 + jnp.float32(1e-16))
        return carry

    lax.fori_loop(0, NP // L, dsum, 0)

    zero16 = jnp.zeros((L,), jnp.float32)

    def zrow(r, carry):
        for j in range(DH // L):
            rows[r, pl.ds(j * L, L)] = zero16
        return carry

    lax.fori_loop(0, CH, zrow, 0)
    for b in range(NPT // CH):
        pltpu.sync_copy(rows, acc_sh.at[pl.ds(s * NPT + b * CH, CH)])
    plsc.subcore_barrier()

    zi = jnp.zeros((L,), jnp.int32)
    xp_half = xph_h.at[c]

    def chunk(ci, carry):
        pltpu.async_copy(xp_half.at[srcb.at[ci]], rows, sem).wait()
        for k in range(CH // L):
            di = dstb[ci, pl.ds(k * L, L)]
            dv = plsc.load_gather(denA, [di])
            exb[ci, pl.ds(k * L, L)] = exb[ci, pl.ds(k * L, L)] / dv

        def srow(r, rc):
            a_spl = plsc.load_gather(exb, [zi + ci, zi + r])
            for j in range(DH // L):
                rows[r, pl.ds(j * L, L)] = rows[r, pl.ds(j * L, L)] * a_spl
            return rc

        lax.fori_loop(0, CH, srow, 0)
        pltpu.sync_copy(rows, acc_sh.at[dstb.at[ci]], add=True)
        return carry

    lax.fori_loop(0, NCH_S, chunk, 0)
    plsc.subcore_barrier()
    for b in range(NPT // CH):
        pltpu.sync_copy(acc_sh.at[pl.ds(s * NPT + b * CH, CH)], rows)
        pltpu.sync_copy(rows, out_h.at[c, pl.ds(s * NPT + b * CH, CH)])


def _tc_finish_body(p_ref, b_ref, o_ref):
    va = p_ref[0] + b_ref[:, :DH]
    vb = p_ref[1] + b_ref[:, DH:]
    o_ref[:, :DH] = jnp.where(va > 0, va, jnp.exp(va) - jnp.float32(1.0))
    o_ref[:, DH:] = jnp.where(vb > 0, vb, jnp.exp(vb) - jnp.float32(1.0))


def _tc_finish(part, bias2d):
    return pl.pallas_call(
        _tc_finish_body,
        grid=(NN // 1000,),
        in_specs=[
            pl.BlockSpec((2, 1000, DH), lambda i: (0, i, 0)),
            pl.BlockSpec((1, D), lambda i: (0, 0)),
        ],
        out_specs=pl.BlockSpec((1000, D), lambda i: (i, 0)),
        out_shape=jax.ShapeDtypeStruct((NN, D), jnp.float32),
    )(part, bias2d)


def kernel(x, edge_index, W, att_src, att_dst, bias):
    src = edge_index[0].astype(jnp.int32)
    dst = edge_index[1].astype(jnp.int32)
    pad = jnp.full((EP - EE,), NN, jnp.int32)
    srcp = jnp.concatenate([src, pad]).reshape(NCH, CH)
    dstp = jnp.concatenate([dst, pad]).reshape(NCH, CH)
    xpad = jnp.pad(x, ((0, NP - NN), (0, 0)))
    att2 = jnp.stack([att_src[0], att_dst[0]], axis=1)

    xph, a2 = _tc_project(xpad, W, att2)
    asrc = a2[:, 0] + jnp.float32(0.0)
    adst = a2[:, 1] + jnp.float32(0.0)
    ex, den2 = _sc_edge_logits(asrc, adst, srcp, dstp)
    part = _sc_aggregate(xph, ex, den2, srcp, dstp)
    return _tc_finish(part, bias.reshape(1, D))

# --- scband reference (transcript-rebuilt; emitter-appended) ---
"""Pipeline reference for scband-gatlayer-48704929137142 (READ-ONLY COPY).

The authoritative reference and input builder live on the scoring server;
editing this copy changes nothing except your own understanding.
"""

import jax, jax.numpy as jnp
import numpy as np

N = 10000
E = 320000
IN_CH = 128
HEADS = 1
HID = 128


def setup_inputs(seed: int = 0) -> dict:
    key = jax.random.key(seed)
    k1, k2, k3, k4, k5 = jax.random.split(key, 5)
    x = jax.random.normal(k1, (N, IN_CH), dtype=jnp.float32)
    edge_index = jax.random.randint(k2, (2, E), 0, N, dtype=jnp.int64)
    # GATConv learned parameters
    W = jax.random.normal(k3, (IN_CH, HEADS * HID), dtype=jnp.float32) * 0.05
    att_src = jax.random.normal(k4, (HEADS, HID), dtype=jnp.float32) * 0.05
    att_dst = jax.random.normal(k5, (HEADS, HID), dtype=jnp.float32) * 0.05
    bias = jnp.zeros((HEADS * HID,), dtype=jnp.float32)
    return {"x": x, "edge_index": edge_index, "W": W, "att_src": att_src, "att_dst": att_dst, "bias": bias}


def reference(x, edge_index, W, att_src, att_dst, bias):
    n = x.shape[0]
    # linear projection, reshape to [N, heads, hid]
    xp = (x @ W).reshape(n, HEADS, HID)
    # per-node attention logits
    a_src = jnp.sum(xp * att_src[None, :, :], axis=-1)  # [N, heads]
    a_dst = jnp.sum(xp * att_dst[None, :, :], axis=-1)  # [N, heads]
    src = edge_index[0]
    dst = edge_index[1]
    e = a_src[src] + a_dst[dst]                 # [E, heads]
    e = jax.nn.leaky_relu(e, negative_slope=0.2)
    # softmax over incoming edges of each dst node (numerically stable)
    m = jax.ops.segment_max(e, dst, num_segments=n)
    m = jnp.where(jnp.isfinite(m), m, 0.0)
    m = jax.lax.stop_gradient(m)
    ex = jnp.exp(e - m[dst])
    denom = jax.ops.segment_sum(ex, dst, num_segments=n)
    alpha = ex / (denom[dst] + 1e-16)           # [E, heads]
    # message passing: weighted gather of source features, scatter-add to dst
    msg = alpha[:, :, None] * xp[src]           # [E, heads, hid]
    out = jax.ops.segment_sum(msg, dst, num_segments=n)
    out = out.reshape(n, HEADS * HID) + bias
    # F.elu then dropout (eval mode, p=0.0 -> identity)
    return jax.nn.elu(out)

if __name__ == "__main__":
    import jax
    _d = setup_inputs()
    print(jax.jit(kernel)(*tuple(_d.values())))

</pallas_src>

<mosaic_0001>
#map = affine_map<(d0, d1) -> (0, 0, 0)>
#map1 = affine_map<(d0, d1) -> (0, 0)>
module attributes {stable_mosaic.version = 14 : i64} {
  func.func @_sc_aggregate(%arg0: i32, %arg1: i32, %arg2: memref<2x10240x64xf32, #tpu.memory_space<hbm>>, %arg3: memref<2560x128xf32, #tpu.memory_space<hbm>>, %arg4: memref<2x10240xf32, #tpu.memory_space<hbm>>, %arg5: memref<2560x128xi32, #tpu.memory_space<hbm>>, %arg6: memref<2560x128xi32, #tpu.memory_space<hbm>>, %arg7: memref<2x10240x64xf32, #tpu.memory_space<hbm>>, %arg8: memref<160x128xi32, #tpu.memory_space<vmem>>, %arg9: memref<160x128xi32, #tpu.memory_space<vmem>>, %arg10: memref<160x128xf32, #tpu.memory_space<vmem>>, %arg11: memref<10240xf32, #tpu.memory_space<vmem>>, %arg12: memref<10240xf32, #tpu.memory_space<vmem>>, %arg13: memref<128x64xf32, #tpu.memory_space<vmem>>, %arg14: memref<10240x64xf32, #tpu.memory_space<vmem_shared>>, %arg15: memref<!tpu.dma_semaphore, #tpu.memory_space<semaphore_mem>>) attributes {dimension_semantics = [#tpu.dimension_semantics<core_parallel>, #tpu.dimension_semantics<subcore_parallel>], iteration_bounds = array<i64: 2, 16>, scalar_prefetch = 0 : i64, scratch_operands = 8 : i64, tpu.core_type = #tpu.core_type<sc_vector_subcore>, window_params = [{transform_indices = #map}, {transform_indices = #map1}, {transform_indices = #map1}, {transform_indices = #map1}, {transform_indices = #map1}, {transform_indices = #map}]} {
    %mul3A = arith.constant 160 : i32
    %mul3A_0 = arith.muli %arg1, %mul3A : i32
    "tpu.region"() ({
      %run_scoped3A_86 = tpu.sem_alloc : memref<!tpu.dma_semaphore, #tpu.memory_space<semaphore_mem>>
      %dma_start3A = arith.constant 0 : i32
      %dma_start3A_87 = tpu.memref_slice %arg3[%mul3A_0, %dma_start3A] : memref<2560x128xf32, #tpu.memory_space<hbm>> -> memref<160x128xf32, #tpu.memory_space<hbm>>
      %dma_start3A_88 = arith.constant 0 : i32
      %dma_start3A_89 = tpu.memref_slice %arg3[%mul3A_0, %dma_start3A_88] : memref<2560x128xf32, #tpu.memory_space<hbm>> -> memref<160x128xf32, #tpu.memory_space<hbm>>
      tpu.enqueue_dma source(%dma_start3A_89 : memref<160x128xf32, #tpu.memory_space<hbm>>) target(%arg10 : memref<160x128xf32, #tpu.memory_space<vmem>>) target_semaphore(%run_scoped3A_86 : memref<!tpu.dma_semaphore, #tpu.memory_space<semaphore_mem>>)
      %dma_wait3A = arith.constant 0 : i32
      %dma_wait3A_90 = tpu.memref_slice %arg3[%mul3A_0, %dma_wait3A] : memref<2560x128xf32, #tpu.memory_space<hbm>> -> memref<160x128xf32, #tpu.memory_space<hbm>>
      %dma_wait3A_91 = arith.constant 0 : i32
      %dma_wait3A_92 = tpu.memref_slice %arg3[%mul3A_0, %dma_wait3A_91] : memref<2560x128xf32, #tpu.memory_space<hbm>> -> memref<160x128xf32, #tpu.memory_space<hbm>>
      tpu.wait_dma2 semaphore(%run_scoped3A_86 : memref<!tpu.dma_semaphore, #tpu.memory_space<semaphore_mem>>) src(%dma_wait3A_92 : memref<160x128xf32, #tpu.memory_space<hbm>>) dst(%arg10 : memref<160x128xf32, #tpu.memory_space<vmem>>)
      tpu.yield
    }) : () -> ()
    %mul3A_1 = arith.constant 160 : i32
    %mul3A_2 = arith.muli %arg1, %mul3A_1 : i32
    "tpu.region"() ({
      %run_scoped3A_86 = tpu.sem_alloc : memref<!tpu.dma_semaphore, #tpu.memory_space<semaphore_mem>>
      %dma_start3A = arith.constant 0 : i32
      %dma_start3A_87 = tpu.memref_slice %arg5[%mul3A_2, %dma_start3A] : memref<2560x128xi32, #tpu.memory_space<hbm>> -> memref<160x128xi32, #tpu.memory_space<hbm>>
      %dma_start3A_88 = arith.constant 0 : i32
      %dma_start3A_89 = tpu.memref_slice %arg5[%mul3A_2, %dma_start3A_88] : memref<2560x128xi32, #tpu.memory_space<hbm>> -> memref<160x128xi32, #tpu.memory_space<hbm>>
      tpu.enqueue_dma source(%dma_start3A_89 : memref<160x128xi32, #tpu.memory_space<hbm>>) target(%arg8 : memref<160x128xi32, #tpu.memory_space<vmem>>) target_semaphore(%run_scoped3A_86 : memref<!tpu.dma_semaphore, #tpu.memory_space<semaphore_mem>>)
      %dma_wait3A = arith.constant 0 : i32
      %dma_wait3A_90 = tpu.memref_slice %arg5[%mul3A_2, %dma_wait3A] : memref<2560x128xi32, #tpu.memory_space<hbm>> -> memref<160x128xi32, #tpu.memory_space<hbm>>
      %dma_wait3A_91 = arith.constant 0 : i32
      %dma_wait3A_92 = tpu.memref_slice %arg5[%mul3A_2, %dma_wait3A_91] : memref<2560x128xi32, #tpu.memory_space<hbm>> -> memref<160x128xi32, #tpu.memory_space<hbm>>
      tpu.wait_dma2 semaphore(%run_scoped3A_86 : memref<!tpu.dma_semaphore, #tpu.memory_space<semaphore_mem>>) src(%dma_wait3A_92 : memref<160x128xi32, #tpu.memory_space<hbm>>) dst(%arg8 : memref<160x128xi32, #tpu.memory_space<vmem>>)
      tpu.yield
    }) : () -> ()
    %mul3A_3 = arith.constant 160 : i32
    %mul3A_4 = arith.muli %arg1, %mul3A_3 : i32
    "tpu.region"() ({
      %run_scoped3A_86 = tpu.sem_alloc : memref<!tpu.dma_semaphore, #tpu.memory_space<semaphore_mem>>
      %dma_start3A = arith.constant 0 : i32
      %dma_start3A_87 = tpu.memref_slice %arg6[%mul3A_4, %dma_start3A] : memref<2560x128xi32, #tpu.memory_space<hbm>> -> memref<160x128xi32, #tpu.memory_space<hbm>>
      %dma_start3A_88 = arith.constant 0 : i32
      %dma_start3A_89 = tpu.memref_slice %arg6[%mul3A_4, %dma_start3A_88] : memref<2560x128xi32, #tpu.memory_space<hbm>> -> memref<160x128xi32, #tpu.memory_space<hbm>>
      tpu.enqueue_dma source(%dma_start3A_89 : memref<160x128xi32, #tpu.memory_space<hbm>>) target(%arg9 : memref<160x128xi32, #tpu.memory_space<vmem>>) target_semaphore(%run_scoped3A_86 : memref<!tpu.dma_semaphore, #tpu.memory_space<semaphore_mem>>)
      %dma_wait3A = arith.constant 0 : i32
      %dma_wait3A_90 = tpu.memref_slice %arg6[%mul3A_4, %dma_wait3A] : memref<2560x128xi32, #tpu.memory_space<hbm>> -> memref<160x128xi32, #tpu.memory_space<hbm>>
      %dma_wait3A_91 = arith.constant 0 : i32
      %dma_wait3A_92 = tpu.memref_slice %arg6[%mul3A_4, %dma_wait3A_91] : memref<2560x128xi32, #tpu.memory_space<hbm>> -> memref<160x128xi32, #tpu.memory_space<hbm>>
      tpu.wait_dma2 semaphore(%run_scoped3A_86 : memref<!tpu.dma_semaphore, #tpu.memory_space<semaphore_mem>>) src(%dma_wait3A_92 : memref<160x128xi32, #tpu.memory_space<hbm>>) dst(%arg9 : memref<160x128xi32, #tpu.memory_space<vmem>>)
      tpu.yield
    }) : () -> ()
    %run_scoped3A = arith.constant 0 : i32
    "tpu.region"() ({
      %run_scoped3A_86 = tpu.sem_alloc : memref<!tpu.dma_semaphore, #tpu.memory_space<semaphore_mem>>
      %dma_start3A = arith.constant 0 : i32
      %dma_start3A_87 = tpu.memref_slice %arg4[%run_scoped3A, %dma_start3A] : memref<2x10240xf32, #tpu.memory_space<hbm>> -> memref<1x10240xf32, #tpu.memory_space<hbm>>
      %dma_start3A_88 = tpu.memref_squeeze %dma_start3A_87 : memref<1x10240xf32, #tpu.memory_space<hbm>> -> memref<10240xf32, #tpu.memory_space<hbm>>
      %dma_start3A_89 = arith.constant 0 : i32
      %dma_start3A_90 = tpu.memref_slice %arg4[%run_scoped3A, %dma_start3A_89] : memref<2x10240xf32, #tpu.memory_space<hbm>> -> memref<1x10240xf32, #tpu.memory_space<hbm>>
      %dma_start3A_91 = tpu.memref_squeeze %dma_start3A_90 : memref<1x10240xf32, #tpu.memory_space<hbm>> -> memref<10240xf32, #tpu.memory_space<hbm>>
      tpu.enqueue_dma source(%dma_start3A_91 : memref<10240xf32, #tpu.memory_space<hbm>>) target(%arg11 : memref<10240xf32, #tpu.memory_space<vmem>>) target_semaphore(%run_scoped3A_86 : memref<!tpu.dma_semaphore, #tpu.memory_space<semaphore_mem>>)
      %dma_wait3A = arith.constant 0 : i32
      %dma_wait3A_92 = tpu.memref_slice %arg4[%run_scoped3A, %dma_wait3A] : memref<2x10240xf32, #tpu.memory_space<hbm>> -> memref<1x10240xf32, #tpu.memory_space<hbm>>
      %dma_wait3A_93 = tpu.memref_squeeze %dma_wait3A_92 : memref<1x10240xf32, #tpu.memory_space<hbm>> -> memref<10240xf32, #tpu.memory_space<hbm>>
      %dma_wait3A_94 = arith.constant 0 : i32
      %dma_wait3A_95 = tpu.memref_slice %arg4[%run_scoped3A, %dma_wait3A_94] : memref<2x10240xf32, #tpu.memory_space<hbm>> -> memref<1x10240xf32, #tpu.memory_space<hbm>>
      %dma_wait3A_96 = tpu.memref_squeeze %dma_wait3A_95 : memref<1x10240xf32, #tpu.memory_space<hbm>> -> memref<10240xf32, #tpu.memory_space<hbm>>
      tpu.wait_dma2 semaphore(%run_scoped3A_86 : memref<!tpu.dma_semaphore, #tpu.memory_space<semaphore_mem>>) src(%dma_wait3A_96 : memref<10240xf32, #tpu.memory_space<hbm>>) dst(%arg11 : memref<10240xf32, #tpu.memory_space<vmem>>)
      tpu.yield
    }) : () -> ()
    %run_scoped3A_5 = arith.constant 1 : i32
    "tpu.region"() ({
      %run_scoped3A_86 = tpu.sem_alloc : memref<!tpu.dma_semaphore, #tpu.memory_space<semaphore_mem>>
      %dma_start3A = arith.constant 0 : i32
      %dma_start3A_87 = tpu.memref_slice %arg4[%run_scoped3A_5, %dma_start3A] : memref<2x10240xf32, #tpu.memory_space<hbm>> -> memref<1x10240xf32, #tpu.memory_space<hbm>>
      %dma_start3A_88 = tpu.memref_squeeze %dma_start3A_87 : memref<1x10240xf32, #tpu.memory_space<hbm>> -> memref<10240xf32, #tpu.memory_space<hbm>>
      %dma_start3A_89 = arith.constant 0 : i32
      %dma_start3A_90 = tpu.memref_slice %arg4[%run_scoped3A_5, %dma_start3A_89] : memref<2x10240xf32, #tpu.memory_space<hbm>> -> memref<1x10240xf32, #tpu.memory_space<hbm>>
      %dma_start3A_91 = tpu.memref_squeeze %dma_start3A_90 : memref<1x10240xf32, #tpu.memory_space<hbm>> -> memref<10240xf32, #tpu.memory_space<hbm>>
      tpu.enqueue_dma source(%dma_start3A_91 : memref<10240xf32, #tpu.memory_space<hbm>>) target(%arg12 : memref<10240xf32, #tpu.memory_space<vmem>>) target_semaphore(%run_scoped3A_86 : memref<!tpu.dma_semaphore, #tpu.memory_space<semaphore_mem>>)
      %dma_wait3A = arith.constant 0 : i32
      %dma_wait3A_92 = tpu.memref_slice %arg4[%run_scoped3A_5, %dma_wait3A] : memref<2x10240xf32, #tpu.memory_space<hbm>> -> memref<1x10240xf32, #tpu.memory_space<hbm>>
      %dma_wait3A_93 = tpu.memref_squeeze %dma_wait3A_92 : memref<1x10240xf32, #tpu.memory_space<hbm>> -> memref<10240xf32, #tpu.memory_space<hbm>>
      %dma_wait3A_94 = arith.constant 0 : i32
      %dma_wait3A_95 = tpu.memref_slice %arg4[%run_scoped3A_5, %dma_wait3A_94] : memref<2x10240xf32, #tpu.memory_space<hbm>> -> memref<1x10240xf32, #tpu.memory_space<hbm>>
      %dma_wait3A_96 = tpu.memref_squeeze %dma_wait3A_95 : memref<1x10240xf32, #tpu.memory_space<hbm>> -> memref<10240xf32, #tpu.memory_space<hbm>>
      tpu.wait_dma2 semaphore(%run_scoped3A_86 : memref<!tpu.dma_semaphore, #tpu.memory_space<semaphore_mem>>) src(%dma_wait3A_96 : memref<10240xf32, #tpu.memory_space<hbm>>) dst(%arg12 : memref<10240xf32, #tpu.memory_space<vmem>>)
      tpu.yield
    }) : () -> ()
    %scan3A = arith.constant 0 : i32
    %scan3A_6 = arith.constant 0 : i32
    %scan3A_7 = arith.constant 640 : i32
    %scan3A_8 = arith.addi %scan3A_6, %scan3A_7 : i32
    %scan3A_9 = arith.constant 1 : i32
    scf.for %scan3A_86 = %scan3A_6 to %scan3A_8 step %scan3A_9  : i32 {
      %mul3A_87 = arith.constant 16 : i32
      %mul3A_88 = arith.muli %scan3A_86, %mul3A_87 : i32
      %get3A = arith.index_cast %mul3A_88 : i32 to index
      %get3A_89 = tpu.vector_load %arg11[%get3A] {strides = array<i32>} : memref<10240xf32, #tpu.memory_space<vmem>>, vector<16xf32>,
      %mul3A_90 = arith.constant 16 : i32
      %mul3A_91 = arith.muli %scan3A_86, %mul3A_90 : i32
      %get3A_92 = arith.index_cast %mul3A_91 : i32 to index
      %get3A_93 = tpu.vector_load %arg12[%get3A_92] {strides = array<i32>} : memref<10240xf32, #tpu.memory_space<vmem>>, vector<16xf32>,
      %add3A_94 = arith.addf %get3A_89, %get3A_93 : vector<16xf32>
      %add3A_95 = arith.constant 1.000000e-16 : f32
      %add3A_96 = vector.broadcast %add3A_95 : f32 to vector<16xf32>
      %add3A_97 = arith.addf %add3A_94, %add3A_96 : vector<16xf32>
      %mul3A_98 = arith.constant 16 : i32
      %mul3A_99 = arith.muli %scan3A_86, %mul3A_98 : i32
      %swap3A = arith.index_cast %mul3A_99 : i32 to index
      %swap3A_100 = tpu.vector_load %arg11[%swap3A] {strides = array<i32>} : memref<10240xf32, #tpu.memory_space<vmem>>, vector<16xf32>,
      tpu.vector_store %arg11[%swap3A], %add3A_97 {strides = array<i32>} : memref<10240xf32, #tpu.memory_space<vmem>>, vector<16xf32>,
    }
    %scan3A_10 = arith.constant 640 : i32
    %broadcast_in_dim3A = arith.constant 0.000000e+00 : f32
    %broadcast_in_dim3A_11 = vector.broadcast %broadcast_in_dim3A : f32 to vector<16xf32>
    %scan3A_12 = arith.constant 0 : i32
    %scan3A_13 = arith.constant 0 : i32
    %scan3A_14 = arith.constant 128 : i32
    %scan3A_15 = arith.addi %scan3A_13, %scan3A_14 : i32
    %scan3A_16 = arith.constant 1 : i32
    scf.for %scan3A_86 = %scan3A_13 to %scan3A_15 step %scan3A_16  : i32 {
      %swap3A = arith.index_cast %scan3A_86 : i32 to index
      %swap3A_87 = arith.constant 0 : index
      %swap3A_88 = tpu.vector_load %arg13[%swap3A, %swap3A_87] {strides = array<i32>} : memref<128x64xf32, #tpu.memory_space<vmem>>, vector<16xf32>,
      tpu.vector_store %arg13[%swap3A, %swap3A_87], %broadcast_in_dim3A_11 {strides = array<i32>} : memref<128x64xf32, #tpu.memory_space<vmem>>, vector<16xf32>,
      %swap3A_89 = arith.index_cast %scan3A_86 : i32 to index
      %swap3A_90 = arith.constant 16 : index
      %swap3A_91 = tpu.vector_load %arg13[%swap3A_89, %swap3A_90] {strides = array<i32>} : memref<128x64xf32, #tpu.memory_space<vmem>>, vector<16xf32>,
      tpu.vector_store %arg13[%swap3A_89, %swap3A_90], %broadcast_in_dim3A_11 {strides = array<i32>} : memref<128x64xf32, #tpu.memory_space<vmem>>, vector<16xf32>,
      %swap3A_92 = arith.index_cast %scan3A_86 : i32 to index
      %swap3A_93 = arith.constant 32 : index
      %swap3A_94 = tpu.vector_load %arg13[%swap3A_92, %swap3A_93] {strides = array<i32>} : memref<128x64xf32, #tpu.memory_space<vmem>>, vector<16xf32>,
      tpu.vector_store %arg13[%swap3A_92, %swap3A_93], %broadcast_in_dim3A_11 {strides = array<i32>} : memref<128x64xf32, #tpu.memory_space<vmem>>, vector<16xf32>,
      %swap3A_95 = arith.index_cast %scan3A_86 : i32 to index
      %swap3A_96 = arith.constant 48 : index
      %swap3A_97 = tpu.vector_load %arg13[%swap3A_95, %swap3A_96] {strides = array<i32>} : memref<128x64xf32, #tpu.memory_space<vmem>>, vector<16xf32>,
      tpu.vector_store %arg13[%swap3A_95, %swap3A_96], %broadcast_in_dim3A_11 {strides = array<i32>} : memref<128x64xf32, #tpu.memory_space<vmem>>, vector<16xf32>,
    }
    %scan3A_17 = arith.constant 128 : i32
    %mul3A_18 = arith.constant 640 : i32
    %mul3A_19 = arith.muli %arg1, %mul3A_18 : i32
    %add3A = arith.constant 0 : i32
    %add3A_20 = arith.addi %mul3A_19, %add3A : i32
    "tpu.region"() ({
      %run_scoped3A_86 = tpu.sem_alloc : memref<!tpu.dma_semaphore, #tpu.memory_space<semaphore_mem>>
      %dma_start3A = arith.constant 0 : i32
      %dma_start3A_87 = tpu.memref_slice %arg14[%add3A_20, %dma_start3A] : memref<10240x64xf32, #tpu.memory_space<vmem_shared>> -> memref<128x64xf32, #tpu.memory_space<vmem_shared>>
      %dma_start3A_88 = arith.constant 0 : i32
      %dma_start3A_89 = tpu.memref_slice %arg14[%add3A_20, %dma_start3A_88] : memref<10240x64xf32, #tpu.memory_space<vmem_shared>> -> memref<128x64xf32, #tpu.memory_space<vmem_shared>>
      tpu.enqueue_dma source(%arg13 : memref<128x64xf32, #tpu.memory_space<vmem>>) target(%dma_start3A_89 : memref<128x64xf32, #tpu.memory_space<vmem_shared>>) target_semaphore(%run_scoped3A_86 : memref<!tpu.dma_semaphore, #tpu.memory_space<semaphore_mem>>)
      %dma_wait3A = arith.constant 0 : i32
      %dma_wait3A_90 = tpu.memref_slice %arg14[%add3A_20, %dma_wait3A] : memref<10240x64xf32, #tpu.memory_space<vmem_shared>> -> memref<128x64xf32, #tpu.memory_space<vmem_shared>>
      %dma_wait3A_91 = arith.constant 0 : i32
      %dma_wait3A_92 = tpu.memref_slice %arg14[%add3A_20, %dma_wait3A_91] : memref<10240x64xf32, #tpu.memory_space<vmem_shared>> -> memref<128x64xf32, #tpu.memory_space<vmem_shared>>
      tpu.wait_dma2 semaphore(%run_scoped3A_86 : memref<!tpu.dma_semaphore, #tpu.memory_space<semaphore_mem>>) src(%arg13 : memref<128x64xf32, #tpu.memory_space<vmem>>) dst(%dma_wait3A_92 : memref<128x64xf32, #tpu.memory_space<vmem_shared>>)
      tpu.yield
    }) : () -> ()
    %mul3A_21 = arith.constant 640 : i32
    %mul3A_22 = arith.muli %arg1, %mul3A_21 : i32
    %add3A_23 = arith.constant 128 : i32
    %add3A_24 = arith.addi %mul3A_22, %add3A_23 : i32
    "tpu.region"() ({
      %run_scoped3A_86 = tpu.sem_alloc : memref<!tpu.dma_semaphore, #tpu.memory_space<semaphore_mem>>
      %dma_start3A = arith.constant 0 : i32
      %dma_start3A_87 = tpu.memref_slice %arg14[%add3A_24, %dma_start3A] : memref<10240x64xf32, #tpu.memory_space<vmem_shared>> -> memref<128x64xf32, #tpu.memory_space<vmem_shared>>
      %dma_start3A_88 = arith.constant 0 : i32
      %dma_start3A_89 = tpu.memref_slice %arg14[%add3A_24, %dma_start3A_88] : memref<10240x64xf32, #tpu.memory_space<vmem_shared>> -> memref<128x64xf32, #tpu.memory_space<vmem_shared>>
      tpu.enqueue_dma source(%arg13 : memref<128x64xf32, #tpu.memory_space<vmem>>) target(%dma_start3A_89 : memref<128x64xf32, #tpu.memory_space<vmem_shared>>) target_semaphore(%run_scoped3A_86 : memref<!tpu.dma_semaphore, #tpu.memory_space<semaphore_mem>>)
      %dma_wait3A = arith.constant 0 : i32
      %dma_wait3A_90 = tpu.memref_slice %arg14[%add3A_24, %dma_wait3A] : memref<10240x64xf32, #tpu.memory_space<vmem_shared>> -> memref<128x64xf32, #tpu.memory_space<vmem_shared>>
      %dma_wait3A_91 = arith.constant 0 : i32
      %dma_wait3A_92 = tpu.memref_slice %arg14[%add3A_24, %dma_wait3A_91] : memref<10240x64xf32, #tpu.memory_space<vmem_shared>> -> memref<128x64xf32, #tpu.memory_space<vmem_shared>>
      tpu.wait_dma2 semaphore(%run_scoped3A_86 : memref<!tpu.dma_semaphore, #tpu.memory_space<semaphore_mem>>) src(%arg13 : memref<128x64xf32, #tpu.memory_space<vmem>>) dst(%dma_wait3A_92 : memref<128x64xf32, #tpu.memory_space<vmem_shared>>)
      tpu.yield
    }) : () -> ()
    %mul3A_25 = arith.constant 640 : i32
    %mul3A_26 = arith.muli %arg1, %mul3A_25 : i32
    %add3A_27 = arith.constant 256 : i32
    %add3A_28 = arith.addi %mul3A_26, %add3A_27 : i32
    "tpu.region"() ({
      %run_scoped3A_86 = tpu.sem_alloc : memref<!tpu.dma_semaphore, #tpu.memory_space<semaphore_mem>>
      %dma_start3A = arith.constant 0 : i32
      %dma_start3A_87 = tpu.memref_slice %arg14[%add3A_28, %dma_start3A] : memref<10240x64xf32, #tpu.memory_space<vmem_shared>> -> memref<128x64xf32, #tpu.memory_space<vmem_shared>>
      %dma_start3A_88 = arith.constant 0 : i32
      %dma_start3A_89 = tpu.memref_slice %arg14[%add3A_28, %dma_start3A_88] : memref<10240x64xf32, #tpu.memory_space<vmem_shared>> -> memref<128x64xf32, #tpu.memory_space<vmem_shared>>
      tpu.enqueue_dma source(%arg13 : memref<128x64xf32, #tpu.memory_space<vmem>>) target(%dma_start3A_89 : memref<128x64xf32, #tpu.memory_space<vmem_shared>>) target_semaphore(%run_scoped3A_86 : memref<!tpu.dma_semaphore, #tpu.memory_space<semaphore_mem>>)
      %dma_wait3A = arith.constant 0 : i32
      %dma_wait3A_90 = tpu.memref_slice %arg14[%add3A_28, %dma_wait3A] : memref<10240x64xf32, #tpu.memory_space<vmem_shared>> -> memref<128x64xf32, #tpu.memory_space<vmem_shared>>
      %dma_wait3A_91 = arith.constant 0 : i32
      %dma_wait3A_92 = tpu.memref_slice %arg14[%add3A_28, %dma_wait3A_91] : memref<10240x64xf32, #tpu.memory_space<vmem_shared>> -> memref<128x64xf32, #tpu.memory_space<vmem_shared>>
      tpu.wait_dma2 semaphore(%run_scoped3A_86 : memref<!tpu.dma_semaphore, #tpu.memory_space<semaphore_mem>>) src(%arg13 : memref<128x64xf32, #tpu.memory_space<vmem>>) dst(%dma_wait3A_92 : memref<128x64xf32, #tpu.memory_space<vmem_shared>>)
      tpu.yield
    }) : () -> ()
    %mul3A_29 = arith.constant 640 : i32
    %mul3A_30 = arith.muli %arg1, %mul3A_29 : i32
    %add3A_31 = arith.constant 384 : i32
    %add3A_32 = arith.addi %mul3A_30, %add3A_31 : i32
    "tpu.region"() ({
      %run_scoped3A_86 = tpu.sem_alloc : memref<!tpu.dma_semaphore, #tpu.memory_space<semaphore_mem>>
      %dma_start3A = arith.constant 0 : i32
      %dma_start3A_87 = tpu.memref_slice %arg14[%add3A_32, %dma_start3A] : memref<10240x64xf32, #tpu.memory_space<vmem_shared>> -> memref<128x64xf32, #tpu.memory_space<vmem_shared>>
      %dma_start3A_88 = arith.constant 0 : i32
      %dma_start3A_89 = tpu.memref_slice %arg14[%add3A_32, %dma_start3A_88] : memref<10240x64xf32, #tpu.memory_space<vmem_shared>> -> memref<128x64xf32, #tpu.memory_space<vmem_shared>>
      tpu.enqueue_dma source(%arg13 : memref<128x64xf32, #tpu.memory_space<vmem>>) target(%dma_start3A_89 : memref<128x64xf32, #tpu.memory_space<vmem_shared>>) target_semaphore(%run_scoped3A_86 : memref<!tpu.dma_semaphore, #tpu.memory_space<semaphore_mem>>)
      %dma_wait3A = arith.constant 0 : i32
      %dma_wait3A_90 = tpu.memref_slice %arg14[%add3A_32, %dma_wait3A] : memref<10240x64xf32, #tpu.memory_space<vmem_shared>> -> memref<128x64xf32, #tpu.memory_space<vmem_shared>>
      %dma_wait3A_91 = arith.constant 0 : i32
      %dma_wait3A_92 = tpu.memref_slice %arg14[%add3A_32, %dma_wait3A_91] : memref<10240x64xf32, #tpu.memory_space<vmem_shared>> -> memref<128x64xf32, #tpu.memory_space<vmem_shared>>
      tpu.wait_dma2 semaphore(%run_scoped3A_86 : memref<!tpu.dma_semaphore, #tpu.memory_space<semaphore_mem>>) src(%arg13 : memref<128x64xf32, #tpu.memory_space<vmem>>) dst(%dma_wait3A_92 : memref<128x64xf32, #tpu.memory_space<vmem_shared>>)
      tpu.yield
    }) : () -> ()
    %mul3A_33 = arith.constant 640 : i32
    %mul3A_34 = arith.muli %arg1, %mul3A_33 : i32
    %add3A_35 = arith.constant 512 : i32
    %add3A_36 = arith.addi %mul3A_34, %add3A_35 : i32
    "tpu.region"() ({
      %run_scoped3A_86 = tpu.sem_alloc : memref<!tpu.dma_semaphore, #tpu.memory_space<semaphore_mem>>
      %dma_start3A = arith.constant 0 : i32
      %dma_start3A_87 = tpu.memref_slice %arg14[%add3A_36, %dma_start3A] : memref<10240x64xf32, #tpu.memory_space<vmem_shared>> -> memref<128x64xf32, #tpu.memory_space<vmem_shared>>
      %dma_start3A_88 = arith.constant 0 : i32
      %dma_start3A_89 = tpu.memref_slice %arg14[%add3A_36, %dma_start3A_88] : memref<10240x64xf32, #tpu.memory_space<vmem_shared>> -> memref<128x64xf32, #tpu.memory_space<vmem_shared>>
      tpu.enqueue_dma source(%arg13 : memref<128x64xf32, #tpu.memory_space<vmem>>) target(%dma_start3A_89 : memref<128x64xf32, #tpu.memory_space<vmem_shared>>) target_semaphore(%run_scoped3A_86 : memref<!tpu.dma_semaphore, #tpu.memory_space<semaphore_mem>>)
      %dma_wait3A = arith.constant 0 : i32
      %dma_wait3A_90 = tpu.memref_slice %arg14[%add3A_36, %dma_wait3A] : memref<10240x64xf32, #tpu.memory_space<vmem_shared>> -> memref<128x64xf32, #tpu.memory_space<vmem_shared>>
      %dma_wait3A_91 = arith.constant 0 : i32
      %dma_wait3A_92 = tpu.memref_slice %arg14[%add3A_36, %dma_wait3A_91] : memref<10240x64xf32, #tpu.memory_space<vmem_shared>> -> memref<128x64xf32, #tpu.memory_space<vmem_shared>>
      tpu.wait_dma2 semaphore(%run_scoped3A_86 : memref<!tpu.dma_semaphore, #tpu.memory_space<semaphore_mem>>) src(%arg13 : memref<128x64xf32, #tpu.memory_space<vmem>>) dst(%dma_wait3A_92 : memref<128x64xf32, #tpu.memory_space<vmem_shared>>)
      tpu.yield
    }) : () -> ()
    %barrier3A = arith.constant 0 : index
    tpu.barrier barrier_id(%barrier3A)
    %broadcast_in_dim3A_37 = arith.constant 0 : i32
    %broadcast_in_dim3A_38 = vector.broadcast %broadcast_in_dim3A_37 : i32 to vector<16xi32>
    %scan3A_39 = arith.constant 0 : i32
    %scan3A_40 = arith.constant 0 : i32
    %scan3A_41 = arith.constant 160 : i32
    %scan3A_42 = arith.addi %scan3A_40, %scan3A_41 : i32
    %scan3A_43 = arith.constant 1 : i32
    scf.for %scan3A_86 = %scan3A_40 to %scan3A_42 step %scan3A_43  : i32 {
      %dma_start3A = arith.constant 0 : i32
      %dma_start3A_87 = tpu.memref_slice %arg8[%scan3A_86, %dma_start3A] : memref<160x128xi32, #tpu.memory_space<vmem>> -> memref<1x128xi32, #tpu.memory_space<vmem>>
      %dma_start3A_88 = tpu.memref_squeeze %dma_start3A_87 : memref<1x128xi32, #tpu.memory_space<vmem>> -> memref<128xi32, #tpu.memory_space<vmem>>
      %dma_start3A_89 = arith.constant 0 : i32
      %dma_start3A_90 = arith.constant 0 : i32
      %dma_start3A_91 = tpu.memref_slice %arg2[%arg0, %dma_start3A_89, %dma_start3A_90] : memref<2x10240x64xf32, #tpu.memory_space<hbm>> -> memref<1x10240x64xf32, #tpu.memory_space<hbm>>
      %dma_start3A_92 = tpu.memref_squeeze %dma_start3A_91 : memref<1x10240x64xf32, #tpu.memory_space<hbm>> -> memref<10240x64xf32, #tpu.memory_space<hbm>>
      %dma_start3A_93 = arith.constant 0 : i32
      %dma_start3A_94 = arith.constant 0 : i32
      %dma_start3A_95 = tpu.memref_slice %dma_start3A_92[%dma_start3A_93, %dma_start3A_94] : memref<10240x64xf32, #tpu.memory_space<hbm>> -> memref<10240x64xf32, #tpu.memory_space<hbm>>
      tpu.enqueue_indirect_dma source(%dma_start3A_95 : memref<10240x64xf32, #tpu.memory_space<hbm>>) target(%arg13 : memref<128x64xf32, #tpu.memory_space<vmem>>) offsets(%dma_start3A_88 : memref<128xi32, #tpu.memory_space<vmem>>) semaphore(%arg15 : memref<!tpu.dma_semaphore, #tpu.memory_space<semaphore_mem>>)
      %dma_wait3A = arith.constant 0 : i32
      %dma_wait3A_96 = tpu.memref_slice %arg8[%scan3A_86, %dma_wait3A] : memref<160x128xi32, #tpu.memory_space<vmem>> -> memref<1x128xi32, #tpu.memory_space<vmem>>
      %dma_wait3A_97 = tpu.memref_squeeze %dma_wait3A_96 : memref<1x128xi32, #tpu.memory_space<vmem>> -> memref<128xi32, #tpu.memory_space<vmem>>
      %dma_wait3A_98 = arith.constant 0 : i32
      %dma_wait3A_99 = arith.constant 0 : i32
      %dma_wait3A_100 = tpu.memref_slice %arg2[%arg0, %dma_wait3A_98, %dma_wait3A_99] : memref<2x10240x64xf32, #tpu.memory_space<hbm>> -> memref<1x10240x64xf32, #tpu.memory_space<hbm>>
      %dma_wait3A_101 = tpu.memref_squeeze %dma_wait3A_100 : memref<1x10240x64xf32, #tpu.memory_space<hbm>> -> memref<10240x64xf32, #tpu.memory_space<hbm>>
      %dma_wait3A_102 = arith.constant 0 : i32
      %dma_wait3A_103 = arith.constant 0 : i32
      %dma_wait3A_104 = tpu.memref_slice %dma_wait3A_101[%dma_wait3A_102, %dma_wait3A_103] : memref<10240x64xf32, #tpu.memory_space<hbm>> -> memref<10240x64xf32, #tpu.memory_space<hbm>>
      tpu.wait_indirect_dma semaphore(%arg15 : memref<!tpu.dma_semaphore, #tpu.memory_space<semaphore_mem>>) src(%dma_wait3A_104 : memref<10240x64xf32, #tpu.memory_space<hbm>>) dst(%arg13 : memref<128x64xf32, #tpu.memory_space<vmem>>)
      %get3A = arith.index_cast %scan3A_86 : i32 to index
      %get3A_105 = arith.constant 0 : index
      %get3A_106 = tpu.vector_load %arg9[%get3A, %get3A_105] {strides = array<i32>} : memref<160x128xi32, #tpu.memory_space<vmem>>, vector<16xi32>,
      %gather3A = tpu.vector_load_idx %arg11[%get3A_106] : memref<10240xf32, #tpu.memory_space<vmem>>[vector<16xi32>], vector<16xf32>,
      %get3A_107 = arith.index_cast %scan3A_86 : i32 to index
      %get3A_108 = arith.constant 0 : index
      %get3A_109 = tpu.vector_load %arg10[%get3A_107, %get3A_108] {strides = array<i32>} : memref<160x128xf32, #tpu.memory_space<vmem>>, vector<16xf32>,
      %div3A = arith.divf %get3A_109, %gather3A : vector<16xf32>
      %swap3A = arith.index_cast %scan3A_86 : i32 to index
      %swap3A_110 = arith.constant 0 : index
      %swap3A_111 = tpu.vector_load %arg10[%swap3A, %swap3A_110] {strides = array<i32>} : memref<160x128xf32, #tpu.memory_space<vmem>>, vector<16xf32>,
      tpu.vector_store %arg10[%swap3A, %swap3A_110], %div3A {strides = array<i32>} : memref<160x128xf32, #tpu.memory_space<vmem>>, vector<16xf32>,
      %get3A_112 = arith.index_cast %scan3A_86 : i32 to index
      %get3A_113 = arith.constant 16 : index
      %get3A_114 = tpu.vector_load %arg9[%get3A_112, %get3A_113] {strides = array<i32>} : memref<160x128xi32, #tpu.memory_space<vmem>>, vector<16xi32>,
      %gather3A_115 = tpu.vector_load_idx %arg11[%get3A_114] : memref<10240xf32, #tpu.memory_space<vmem>>[vector<16xi32>], vector<16xf32>,
      %get3A_116 = arith.index_cast %scan3A_86 : i32 to index
      %get3A_117 = arith.constant 16 : index
      %get3A_118 = tpu.vector_load %arg10[%get3A_116, %get3A_117] {strides = array<i32>} : memref<160x128xf32, #tpu.memory_space<vmem>>, vector<16xf32>,
      %div3A_119 = arith.divf %get3A_118, %gather3A_115 : vector<16xf32>
      %swap3A_120 = arith.index_cast %scan3A_86 : i32 to index
      %swap3A_121 = arith.constant 16 : index
      %swap3A_122 = tpu.vector_load %arg10[%swap3A_120, %swap3A_121] {strides = array<i32>} : memref<160x128xf32, #tpu.memory_space<vmem>>, vector<16xf32>,
      tpu.vector_store %arg10[%swap3A_120, %swap3A_121], %div3A_119 {strides = array<i32>} : memref<160x128xf32, #tpu.memory_space<vmem>>, vector<16xf32>,
      %get3A_123 = arith.index_cast %scan3A_86 : i32 to index
      %get3A_124 = arith.constant 32 : index
      %get3A_125 = tpu.vector_load %arg9[%get3A_123, %get3A_124] {strides = array<i32>} : memref<160x128xi32, #tpu.memory_space<vmem>>, vector<16xi32>,
      %gather3A_126 = tpu.vector_load_idx %arg11[%get3A_125] : memref<10240xf32, #tpu.memory_space<vmem>>[vector<16xi32>], vector<16xf32>,
      %get3A_127 = arith.index_cast %scan3A_86 : i32 to index
      %get3A_128 = arith.constant 32 : index
      %get3A_129 = tpu.vector_load %arg10[%get3A_127, %get3A_128] {strides = array<i32>} : memref<160x128xf32, #tpu.memory_space<vmem>>, vector<16xf32>,
      %div3A_130 = arith.divf %get3A_129, %gather3A_126 : vector<16xf32>
      %swap3A_131 = arith.index_cast %scan3A_86 : i32 to index
      %swap3A_132 = arith.constant 32 : index
      %swap3A_133 = tpu.vector_load %arg10[%swap3A_131, %swap3A_132] {strides = array<i32>} : memref<160x128xf32, #tpu.memory_space<vmem>>, vector<16xf32>,
      tpu.vector_store %arg10[%swap3A_131, %swap3A_132], %div3A_130 {strides = array<i32>} : memref<160x128xf32, #tpu.memory_space<vmem>>, vector<16xf32>,
      %get3A_134 = arith.index_cast %scan3A_86 : i32 to index
      %get3A_135 = arith.constant 48 : index
      %get3A_136 = tpu.vector_load %arg9[%get3A_134, %get3A_135] {strides = array<i32>} : memref<160x128xi32, #tpu.memory_space<vmem>>, vector<16xi32>,
      %gather3A_137 = tpu.vector_load_idx %arg11[%get3A_136] : memref<10240xf32, #tpu.memory_space<vmem>>[vector<16xi32>], vector<16xf32>,
      %get3A_138 = arith.index_cast %scan3A_86 : i32 to index
      %get3A_139 = arith.constant 48 : index
      %get3A_140 = tpu.vector_load %arg10[%get3A_138, %get3A_139] {strides = array<i32>} : memref<160x128xf32, #tpu.memory_space<vmem>>, vector<16xf32>,
      %div3A_141 = arith.divf %get3A_140, %gather3A_137 : vector<16xf32>
      %swap3A_142 = arith.index_cast %scan3A_86 : i32 to index
      %swap3A_143 = arith.constant 48 : index
      %swap3A_144 = tpu.vector_load %arg10[%swap3A_142, %swap3A_143] {strides = array<i32>} : memref<160x128xf32, #tpu.memory_space<vmem>>, vector<16xf32>,
      tpu.vector_store %arg10[%swap3A_142, %swap3A_143], %div3A_141 {strides = array<i32>} : memref<160x128xf32, #tpu.memory_space<vmem>>, vector<16xf32>,
      %get3A_145 = arith.index_cast %scan3A_86 : i32 to index
      %get3A_146 = arith.constant 64 : index
      %get3A_147 = tpu.vector_load %arg9[%get3A_145, %get3A_146] {strides = array<i32>} : memref<160x128xi32, #tpu.memory_space<vmem>>, vector<16xi32>,
      %gather3A_148 = tpu.vector_load_idx %arg11[%get3A_147] : memref<10240xf32, #tpu.memory_space<vmem>>[vector<16xi32>], vector<16xf32>,
      %get3A_149 = arith.index_cast %scan3A_86 : i32 to index
      %get3A_150 = arith.constant 64 : index
      %get3A_151 = tpu.vector_load %arg10[%get3A_149, %get3A_150] {strides = array<i32>} : memref<160x128xf32, #tpu.memory_space<vmem>>, vector<16xf32>,
      %div3A_152 = arith.divf %get3A_151, %gather3A_148 : vector<16xf32>
      %swap3A_153 = arith.index_cast %scan3A_86 : i32 to index
      %swap3A_154 = arith.constant 64 : index
      %swap3A_155 = tpu.vector_load %arg10[%swap3A_153, %swap3A_154] {strides = array<i32>} : memref<160x128xf32, #tpu.memory_space<vmem>>, vector<16xf32>,
      tpu.vector_store %arg10[%swap3A_153, %swap3A_154], %div3A_152 {strides = array<i32>} : memref<160x128xf32, #tpu.memory_space<vmem>>, vector<16xf32>,
      %get3A_156 = arith.index_cast %scan3A_86 : i32 to index
      %get3A_157 = arith.constant 80 : index
      %get3A_158 = tpu.vector_load %arg9[%get3A_156, %get3A_157] {strides = array<i32>} : memref<160x128xi32, #tpu.memory_space<vmem>>, vector<16xi32>,
      %gather3A_159 = tpu.vector_load_idx %arg11[%get3A_158] : memref<10240xf32, #tpu.memory_space<vmem>>[vector<16xi32>], vector<16xf32>,
      %get3A_160 = arith.index_cast %scan3A_86 : i32 to index
      %get3A_161 = arith.constant 80 : index
      %get3A_162 = tpu.vector_load %arg10[%get3A_160, %get3A_161] {strides = array<i32>} : memref<160x128xf32, #tpu.memory_space<vmem>>, vector<16xf32>,
      %div3A_163 = arith.divf %get3A_162, %gather3A_159 : vector<16xf32>
      %swap3A_164 = arith.index_cast %scan3A_86 : i32 to index
      %swap3A_165 = arith.constant 80 : index
      %swap3A_166 = tpu.vector_load %arg10[%swap3A_164, %swap3A_165] {strides = array<i32>} : memref<160x128xf32, #tpu.memory_space<vmem>>, vector<16xf32>,
      tpu.vector_store %arg10[%swap3A_164, %swap3A_165], %div3A_163 {strides = array<i32>} : memref<160x128xf32, #tpu.memory_space<vmem>>, vector<16xf32>,
      %get3A_167 = arith.index_cast %scan3A_86 : i32 to index
      %get3A_168 = arith.constant 96 : index
      %get3A_169 = tpu.vector_load %arg9[%get3A_167, %get3A_168] {strides = array<i32>} : memref<160x128xi32, #tpu.memory_space<vmem>>, vector<16xi32>,
      %gather3A_170 = tpu.vector_load_idx %arg11[%get3A_169] : memref<10240xf32, #tpu.memory_space<vmem>>[vector<16xi32>], vector<16xf32>,
      %get3A_171 = arith.index_cast %scan3A_86 : i32 to index
      %get3A_172 = arith.constant 96 : index
      %get3A_173 = tpu.vector_load %arg10[%get3A_171, %get3A_172] {strides = array<i32>} : memref<160x128xf32, #tpu.memory_space<vmem>>, vector<16xf32>,
      %div3A_174 = arith.divf %get3A_173, %gather3A_170 : vector<16xf32>
      %swap3A_175 = arith.index_cast %scan3A_86 : i32 to index
      %swap3A_176 = arith.constant 96 : index
      %swap3A_177 = tpu.vector_load %arg10[%swap3A_175, %swap3A_176] {strides = array<i32>} : memref<160x128xf32, #tpu.memory_space<vmem>>, vector<16xf32>,
      tpu.vector_store %arg10[%swap3A_175, %swap3A_176], %div3A_174 {strides = array<i32>} : memref<160x128xf32, #tpu.memory_space<vmem>>, vector<16xf32>,
      %get3A_178 = arith.index_cast %scan3A_86 : i32 to index
      %get3A_179 = arith.constant 112 : index
      %get3A_180 = tpu.vector_load %arg9[%get3A_178, %get3A_179] {strides = array<i32>} : memref<160x128xi32, #tpu.memory_space<vmem>>, vector<16xi32>,
      %gather3A_181 = tpu.vector_load_idx %arg11[%get3A_180] : memref<10240xf32, #tpu.memory_space<vmem>>[vector<16xi32>], vector<16xf32>,
      %get3A_182 = arith.index_cast %scan3A_86 : i32 to index
      %get3A_183 = arith.constant 112 : index
      %get3A_184 = tpu.vector_load %arg10[%get3A_182, %get3A_183] {strides = array<i32>} : memref<160x128xf32, #tpu.memory_space<vmem>>, vector<16xf32>,
      %div3A_185 = arith.divf %get3A_184, %gather3A_181 : vector<16xf32>
      %swap3A_186 = arith.index_cast %scan3A_86 : i32 to index
      %swap3A_187 = arith.constant 112 : index
      %swap3A_188 = tpu.vector_load %arg10[%swap3A_186, %swap3A_187] {strides = array<i32>} : memref<160x128xf32, #tpu.memory_space<vmem>>, vector<16xf32>,
      tpu.vector_store %arg10[%swap3A_186, %swap3A_187], %div3A_185 {strides = array<i32>} : memref<160x128xf32, #tpu.memory_space<vmem>>, vector<16xf32>,
      %scan3A_189 = arith.constant 0 : i32
      %scan3A_190 = arith.constant 0 : i32
      %scan3A_191 = arith.constant 128 : i32
      %scan3A_192 = arith.addi %scan3A_190, %scan3A_191 : i32
      %scan3A_193 = arith.constant 1 : i32
      scf.for %scan3A_195 = %scan3A_190 to %scan3A_192 step %scan3A_193  : i32 {
        %add3A_196 = vector.broadcast %scan3A_86 : i32 to vector<16xi32>
        %add3A_197 = arith.addi %broadcast_in_dim3A_38, %add3A_196 : vector<16xi32>
        %add3A_198 = vector.broadcast %scan3A_195 : i32 to vector<16xi32>
        %add3A_199 = arith.addi %broadcast_in_dim3A_38, %add3A_198 : vector<16xi32>
        %gather3A_200 = tpu.vector_load_idx %arg10[%add3A_197, %add3A_199] : memref<160x128xf32, #tpu.memory_space<vmem>>[vector<16xi32>, vector<16xi32>], vector<16xf32>,
        %get3A_201 = arith.index_cast %scan3A_195 : i32 to index
        %get3A_202 = arith.constant 0 : index
        %get3A_203 = tpu.vector_load %arg13[%get3A_201, %get3A_202] {strides = array<i32>} : memref<128x64xf32, #tpu.memory_space<vmem>>, vector<16xf32>,
        %mul3A_204 = arith.mulf %get3A_203, %gather3A_200 : vector<16xf32>
        %swap3A_205 = arith.index_cast %scan3A_195 : i32 to index
        %swap3A_206 = arith.constant 0 : index
        %swap3A_207 = tpu.vector_load %arg13[%swap3A_205, %swap3A_206] {strides = array<i32>} : memref<128x64xf32, #tpu.memory_space<vmem>>, vector<16xf32>,
        tpu.vector_store %arg13[%swap3A_205, %swap3A_206], %mul3A_204 {strides = array<i32>} : memref<128x64xf32, #tpu.memory_space<vmem>>, vector<16xf32>,
        %get3A_208 = arith.index_cast %scan3A_195 : i32 to index
        %get3A_209 = arith.constant 16 : index
        %get3A_210 = tpu.vector_load %arg13[%get3A_208, %get3A_209] {strides = array<i32>} : memref<128x64xf32, #tpu.memory_space<vmem>>, vector<16xf32>,
        %mul3A_211 = arith.mulf %get3A_210, %gather3A_200 : vector<16xf32>
        %swap3A_212 = arith.index_cast %scan3A_195 : i32 to index
        %swap3A_213 = arith.constant 16 : index
        %swap3A_214 = tpu.vector_load %arg13[%swap3A_212, %swap3A_213] {strides = array<i32>} : memref<128x64xf32, #tpu.memory_space<vmem>>, vector<16xf32>,
        tpu.vector_store %arg13[%swap3A_212, %swap3A_213], %mul3A_211 {strides = array<i32>} : memref<128x64xf32, #tpu.memory_space<vmem>>, vector<16xf32>,
        %get3A_215 = arith.index_cast %scan3A_195 : i32 to index
        %get3A_216 = arith.constant 32 : index
        %get3A_217 = tpu.vector_load %arg13[%get3A_215, %get3A_216] {strides = array<i32>} : memref<128x64xf32, #tpu.memory_space<vmem>>, vector<16xf32>,
        %mul3A_218 = arith.mulf %get3A_217, %gather3A_200 : vector<16xf32>
        %swap3A_219 = arith.index_cast %scan3A_195 : i32 to index
        %swap3A_220 = arith.constant 32 : index
        %swap3A_221 = tpu.vector_load %arg13[%swap3A_219, %swap3A_220] {strides = array<i32>} : memref<128x64xf32, #tpu.memory_space<vmem>>, vector<16xf32>,
        tpu.vector_store %arg13[%swap3A_219, %swap3A_220], %mul3A_218 {strides = array<i32>} : memref<128x64xf32, #tpu.memory_space<vmem>>, vector<16xf32>,
        %get3A_222 = arith.index_cast %scan3A_195 : i32 to index
        %get3A_223 = arith.constant 48 : index
        %get3A_224 = tpu.vector_load %arg13[%get3A_222, %get3A_223] {strides = array<i32>} : memref<128x64xf32, #tpu.memory_space<vmem>>, vector<16xf32>,
        %mul3A_225 = arith.mulf %get3A_224, %gather3A_200 : vector<16xf32>
        %swap3A_226 = arith.index_cast %scan3A_195 : i32 to index
        %swap3A_227 = arith.constant 48 : index
        %swap3A_228 = tpu.vector_load %arg13[%swap3A_226, %swap3A_227] {strides = array<i32>} : memref<128x64xf32, #tpu.memory_space<vmem>>, vector<16xf32>,
        tpu.vector_store %arg13[%swap3A_226, %swap3A_227], %mul3A_225 {strides = array<i32>} : memref<128x64xf32, #tpu.memory_space<vmem>>, vector<16xf32>,
      }
      %scan3A_194 = arith.constant 128 : i32
      "tpu.region"() ({
        %run_scoped3A_195 = tpu.sem_alloc : memref<!tpu.dma_semaphore, #tpu.memory_space<semaphore_mem>>
        %dma_start3A_196 = arith.constant 0 : i32
        %dma_start3A_197 = tpu.memref_slice %arg9[%scan3A_86, %dma_start3A_196] : memref<160x128xi32, #tpu.memory_space<vmem>> -> memref<1x128xi32, #tpu.memory_space<vmem>>
        %dma_start3A_198 = tpu.memref_squeeze %dma_start3A_197 : memref<1x128xi32, #tpu.memory_space<vmem>> -> memref<128xi32, #tpu.memory_space<vmem>>
        %dma_start3A_199 = arith.constant 0 : i32
        %dma_start3A_200 = arith.constant 0 : i32
        %dma_start3A_201 = tpu.memref_slice %arg14[%dma_start3A_199, %dma_start3A_200] : memref<10240x64xf32, #tpu.memory_space<vmem_shared>> -> memref<10240x64xf32, #tpu.memory_space<vmem_shared>>
        tpu.enqueue_indirect_dma source(%arg13 : memref<128x64xf32, #tpu.memory_space<vmem>>) target(%dma_start3A_201 : memref<10240x64xf32, #tpu.memory_space<vmem_shared>>) offsets(%dma_start3A_198 : memref<128xi32, #tpu.memory_space<vmem>>) semaphore(%run_scoped3A_195 : memref<!tpu.dma_semaphore, #tpu.memory_space<semaphore_mem>>) {add = true}
        %dma_wait3A_202 = arith.constant 0 : i32
        %dma_wait3A_203 = tpu.memref_slice %arg9[%scan3A_86, %dma_wait3A_202] : memref<160x128xi32, #tpu.memory_space<vmem>> -> memref<1x128xi32, #tpu.memory_space<vmem>>
        %dma_wait3A_204 = tpu.memref_squeeze %dma_wait3A_203 : memref<1x128xi32, #tpu.memory_space<vmem>> -> memref<128xi32, #tpu.memory_space<vmem>>
        %dma_wait3A_205 = arith.constant 0 : i32
        %dma_wait3A_206 = arith.constant 0 : i32
        %dma_wait3A_207 = tpu.memref_slice %arg14[%dma_wait3A_205, %dma_wait3A_206] : memref<10240x64xf32, #tpu.memory_space<vmem_shared>> -> memref<10240x64xf32, #tpu.memory_space<vmem_shared>>
        tpu.wait_indirect_dma semaphore(%run_scoped3A_195 : memref<!tpu.dma_semaphore, #tpu.memory_space<semaphore_mem>>) src(%arg13 : memref<128x64xf32, #tpu.memory_space<vmem>>) dst(%dma_wait3A_207 : memref<10240x64xf32, #tpu.memory_space<vmem_shared>>)
        tpu.yield
      }) : () -> ()
    }
    %scan3A_44 = arith.constant 160 : i32
    %barrier3A_45 = arith.constant 0 : index
    tpu.barrier barrier_id(%barrier3A_45)
    %mul3A_46 = arith.constant 640 : i32
    %mul3A_47 = arith.muli %arg1, %mul3A_46 : i32
    %add3A_48 = arith.constant 0 : i32
    %add3A_49 = arith.addi %mul3A_47, %add3A_48 : i32
    "tpu.region"() ({
      %run_scoped3A_86 = tpu.sem_alloc : memref<!tpu.dma_semaphore, #tpu.memory_space<semaphore_mem>>
      %dma_start3A = arith.constant 0 : i32
      %dma_start3A_87 = tpu.memref_slice %arg14[%add3A_49, %dma_start3A] : memref<10240x64xf32, #tpu.memory_space<vmem_shared>> -> memref<128x64xf32, #tpu.memory_space<vmem_shared>>
      %dma_start3A_88 = arith.constant 0 : i32
      %dma_start3A_89 = tpu.memref_slice %arg14[%add3A_49, %dma_start3A_88] : memref<10240x64xf32, #tpu.memory_space<vmem_shared>> -> memref<128x64xf32, #tpu.memory_space<vmem_shared>>
      tpu.enqueue_dma source(%dma_start3A_89 : memref<128x64xf32, #tpu.memory_space<vmem_shared>>) target(%arg13 : memref<128x64xf32, #tpu.memory_space<vmem>>) target_semaphore(%run_scoped3A_86 : memref<!tpu.dma_semaphore, #tpu.memory_space<semaphore_mem>>)
      %dma_wait3A = arith.constant 0 : i32
      %dma_wait3A_90 = tpu.memref_slice %arg14[%add3A_49, %dma_wait3A] : memref<10240x64xf32, #tpu.memory_space<vmem_shared>> -> memref<128x64xf32, #tpu.memory_space<vmem_shared>>
      %dma_wait3A_91 = arith.constant 0 : i32
      %dma_wait3A_92 = tpu.memref_slice %arg14[%add3A_49, %dma_wait3A_91] : memref<10240x64xf32, #tpu.memory_space<vmem_shared>> -> memref<128x64xf32, #tpu.memory_space<vmem_shared>>
      tpu.wait_dma2 semaphore(%run_scoped3A_86 : memref<!tpu.dma_semaphore, #tpu.memory_space<semaphore_mem>>) src(%dma_wait3A_92 : memref<128x64xf32, #tpu.memory_space<vmem_shared>>) dst(%arg13 : memref<128x64xf32, #tpu.memory_space<vmem>>)
      tpu.yield
    }) : () -> ()
    %mul3A_50 = arith.constant 640 : i32
    %mul3A_51 = arith.muli %arg1, %mul3A_50 : i32
    %add3A_52 = arith.constant 0 : i32
    %add3A_53 = arith.addi %mul3A_51, %add3A_52 : i32
    "tpu.region"() ({
      %run_scoped3A_86 = tpu.sem_alloc : memref<!tpu.dma_semaphore, #tpu.memory_space<semaphore_mem>>
      %dma_start3A = arith.constant 0 : i32
      %dma_start3A_87 = tpu.memref_slice %arg7[%arg0, %add3A_53, %dma_start3A] : memref<2x10240x64xf32, #tpu.memory_space<hbm>> -> memref<1x128x64xf32, #tpu.memory_space<hbm>>
      %dma_start3A_88 = tpu.memref_squeeze %dma_start3A_87 : memref<1x128x64xf32, #tpu.memory_space<hbm>> -> memref<128x64xf32, #tpu.memory_space<hbm>>
      %dma_start3A_89 = arith.constant 0 : i32
      %dma_start3A_90 = tpu.memref_slice %arg7[%arg0, %add3A_53, %dma_start3A_89] : memref<2x10240x64xf32, #tpu.memory_space<hbm>> -> memref<1x128x64xf32, #tpu.memory_space<hbm>>
      %dma_start3A_91 = tpu.memref_squeeze %dma_start3A_90 : memref<1x128x64xf32, #tpu.memory_space<hbm>> -> memref<128x64xf32, #tpu.memory_space<hbm>>
      tpu.enqueue_dma source(%arg13 : memref<128x64xf32, #tpu.memory_space<vmem>>) target(%dma_start3A_91 : memref<128x64xf32, #tpu.memory_space<hbm>>) target_semaphore(%run_scoped3A_86 : memref<!tpu.dma_semaphore, #tpu.memory_space<semaphore_mem>>)
      %dma_wait3A = arith.constant 0 : i32
      %dma_wait3A_92 = tpu.memref_slice %arg7[%arg0, %add3A_53, %dma_wait3A] : memref<2x10240x64xf32, #tpu.memory_space<hbm>> -> memref<1x128x64xf32, #tpu.memory_space<hbm>>
      %dma_wait3A_93 = tpu.memref_squeeze %dma_wait3A_92 : memref<1x128x64xf32, #tpu.memory_space<hbm>> -> memref<128x64xf32, #tpu.memory_space<hbm>>
      %dma_wait3A_94 = arith.constant 0 : i32
      %dma_wait3A_95 = tpu.memref_slice %arg7[%arg0, %add3A_53, %dma_wait3A_94] : memref<2x10240x64xf32, #tpu.memory_space<hbm>> -> memref<1x128x64xf32, #tpu.memory_space<hbm>>
      %dma_wait3A_96 = tpu.memref_squeeze %dma_wait3A_95 : memref<1x128x64xf32, #tpu.memory_space<hbm>> -> memref<128x64xf32, #tpu.memory_space<hbm>>
      tpu.wait_dma2 semaphore(%run_scoped3A_86 : memref<!tpu.dma_semaphore, #tpu.memory_space<semaphore_mem>>) src(%arg13 : memref<128x64xf32, #tpu.memory_space<vmem>>) dst(%dma_wait3A_96 : memref<128x64xf32, #tpu.memory_space<hbm>>)
      tpu.yield
    }) : () -> ()
    %mul3A_54 = arith.constant 640 : i32
    %mul3A_55 = arith.muli %arg1, %mul3A_54 : i32
    %add3A_56 = arith.constant 128 : i32
    %add3A_57 = arith.addi %mul3A_55, %add3A_56 : i32
    "tpu.region"() ({
      %run_scoped3A_86 = tpu.sem_alloc : memref<!tpu.dma_semaphore, #tpu.memory_space<semaphore_mem>>
      %dma_start3A = arith.constant 0 : i32
      %dma_start3A_87 = tpu.memref_slice %arg14[%add3A_57, %dma_start3A] : memref<10240x64xf32, #tpu.memory_space<vmem_shared>> -> memref<128x64xf32, #tpu.memory_space<vmem_shared>>
      %dma_start3A_88 = arith.constant 0 : i32
      %dma_start3A_89 = tpu.memref_slice %arg14[%add3A_57, %dma_start3A_88] : memref<10240x64xf32, #tpu.memory_space<vmem_shared>> -> memref<128x64xf32, #tpu.memory_space<vmem_shared>>
      tpu.enqueue_dma source(%dma_start3A_89 : memref<128x64xf32, #tpu.memory_space<vmem_shared>>) target(%arg13 : memref<128x64xf32, #tpu.memory_space<vmem>>) target_semaphore(%run_scoped3A_86 : memref<!tpu.dma_semaphore, #tpu.memory_space<semaphore_mem>>)
      %dma_wait3A = arith.constant 0 : i32
      %dma_wait3A_90 = tpu.memref_slice %arg14[%add3A_57, %dma_wait3A] : memref<10240x64xf32, #tpu.memory_space<vmem_shared>> -> memref<128x64xf32, #tpu.memory_space<vmem_shared>>
      %dma_wait3A_91 = arith.constant 0 : i32
      %dma_wait3A_92 = tpu.memref_slice %arg14[%add3A_57, %dma_wait3A_91] : memref<10240x64xf32, #tpu.memory_space<vmem_shared>> -> memref<128x64xf32, #tpu.memory_space<vmem_shared>>
      tpu.wait_dma2 semaphore(%run_scoped3A_86 : memref<!tpu.dma_semaphore, #tpu.memory_space<semaphore_mem>>) src(%dma_wait3A_92 : memref<128x64xf32, #tpu.memory_space<vmem_shared>>) dst(%arg13 : memref<128x64xf32, #tpu.memory_space<vmem>>)
      tpu.yield
    }) : () -> ()
    %mul3A_58 = arith.constant 640 : i32
    %mul3A_59 = arith.muli %arg1, %mul3A_58 : i32
    %add3A_60 = arith.constant 128 : i32
    %add3A_61 = arith.addi %mul3A_59, %add3A_60 : i32
    "tpu.region"() ({
      %run_scoped3A_86 = tpu.sem_alloc : memref<!tpu.dma_semaphore, #tpu.memory_space<semaphore_mem>>
      %dma_start3A = arith.constant 0 : i32
      %dma_start3A_87 = tpu.memref_slice %arg7[%arg0, %add3A_61, %dma_start3A] : memref<2x10240x64xf32, #tpu.memory_space<hbm>> -> memref<1x128x64xf32, #tpu.memory_space<hbm>>
      %dma_start3A_88 = tpu.memref_squeeze %dma_start3A_87 : memref<1x128x64xf32, #tpu.memory_space<hbm>> -> memref<128x64xf32, #tpu.memory_space<hbm>>
      %dma_start3A_89 = arith.constant 0 : i32
      %dma_start3A_90 = tpu.memref_slice %arg7[%arg0, %add3A_61, %dma_start3A_89] : memref<2x10240x64xf32, #tpu.memory_space<hbm>> -> memref<1x128x64xf32, #tpu.memory_space<hbm>>
      %dma_start3A_91 = tpu.memref_squeeze %dma_start3A_90 : memref<1x128x64xf32, #tpu.memory_space<hbm>> -> memref<128x64xf32, #tpu.memory_space<hbm>>
      tpu.enqueue_dma source(%arg13 : memref<128x64xf32, #tpu.memory_space<vmem>>) target(%dma_start3A_91 : memref<128x64xf32, #tpu.memory_space<hbm>>) target_semaphore(%run_scoped3A_86 : memref<!tpu.dma_semaphore, #tpu.memory_space<semaphore_mem>>)
      %dma_wait3A = arith.constant 0 : i32
      %dma_wait3A_92 = tpu.memref_slice %arg7[%arg0, %add3A_61, %dma_wait3A] : memref<2x10240x64xf32, #tpu.memory_space<hbm>> -> memref<1x128x64xf32, #tpu.memory_space<hbm>>
      %dma_wait3A_93 = tpu.memref_squeeze %dma_wait3A_92 : memref<1x128x64xf32, #tpu.memory_space<hbm>> -> memref<128x64xf32, #tpu.memory_space<hbm>>
      %dma_wait3A_94 = arith.constant 0 : i32
      %dma_wait3A_95 = tpu.memref_slice %arg7[%arg0, %add3A_61, %dma_wait3A_94] : memref<2x10240x64xf32, #tpu.memory_space<hbm>> -> memref<1x128x64xf32, #tpu.memory_space<hbm>>
      %dma_wait3A_96 = tpu.memref_squeeze %dma_wait3A_95 : memref<1x128x64xf32, #tpu.memory_space<hbm>> -> memref<128x64xf32, #tpu.memory_space<hbm>>
      tpu.wait_dma2 semaphore(%run_scoped3A_86 : memref<!tpu.dma_semaphore, #tpu.memory_space<semaphore_mem>>) src(%arg13 : memref<128x64xf32, #tpu.memory_space<vmem>>) dst(%dma_wait3A_96 : memref<128x64xf32, #tpu.memory_space<hbm>>)
      tpu.yield
    }) : () -> ()
    %mul3A_62 = arith.constant 640 : i32
    %mul3A_63 = arith.muli %arg1, %mul3A_62 : i32
    %add3A_64 = arith.constant 256 : i32
    %add3A_65 = arith.addi %mul3A_63, %add3A_64 : i32
    "tpu.region"() ({
      %run_scoped3A_86 = tpu.sem_alloc : memref<!tpu.dma_semaphore, #tpu.memory_space<semaphore_mem>>
      %dma_start3A = arith.constant 0 : i32
      %dma_start3A_87 = tpu.memref_slice %arg14[%add3A_65, %dma_start3A] : memref<10240x64xf32, #tpu.memory_space<vmem_shared>> -> memref<128x64xf32, #tpu.memory_space<vmem_shared>>
      %dma_start3A_88 = arith.constant 0 : i32
      %dma_start3A_89 = tpu.memref_slice %arg14[%add3A_65, %dma_start3A_88] : memref<10240x64xf32, #tpu.memory_space<vmem_shared>> -> memref<128x64xf32, #tpu.memory_space<vmem_shared>>
      tpu.enqueue_dma source(%dma_start3A_89 : memref<128x64xf32, #tpu.memory_space<vmem_shared>>) target(%arg13 : memref<128x64xf32, #tpu.memory_space<vmem>>) target_semaphore(%run_scoped3A_86 : memref<!tpu.dma_semaphore, #tpu.memory_space<semaphore_mem>>)
      %dma_wait3A = arith.constant 0 : i32
      %dma_wait3A_90 = tpu.memref_slice %arg14[%add3A_65, %dma_wait3A] : memref<10240x64xf32, #tpu.memory_space<vmem_shared>> -> memref<128x64xf32, #tpu.memory_space<vmem_shared>>
      %dma_wait3A_91 = arith.constant 0 : i32
      %dma_wait3A_92 = tpu.memref_slice %arg14[%add3A_65, %dma_wait3A_91] : memref<10240x64xf32, #tpu.memory_space<vmem_shared>> -> memref<128x64xf32, #tpu.memory_space<vmem_shared>>
      tpu.wait_dma2 semaphore(%run_scoped3A_86 : memref<!tpu.dma_semaphore, #tpu.memory_space<semaphore_mem>>) src(%dma_wait3A_92 : memref<128x64xf32, #tpu.memory_space<vmem_shared>>) dst(%arg13 : memref<128x64xf32, #tpu.memory_space<vmem>>)
      tpu.yield
    }) : () -> ()
    %mul3A_66 = arith.constant 640 : i32
    %mul3A_67 = arith.muli %arg1, %mul3A_66 : i32
    %add3A_68 = arith.constant 256 : i32
    %add3A_69 = arith.addi %mul3A_67, %add3A_68 : i32
    "tpu.region"() ({
      %run_scoped3A_86 = tpu.sem_alloc : memref<!tpu.dma_semaphore, #tpu.memory_space<semaphore_mem>>
      %dma_start3A = arith.constant 0 : i32
      %dma_start3A_87 = tpu.memref_slice %arg7[%arg0, %add3A_69, %dma_start3A] : memref<2x10240x64xf32, #tpu.memory_space<hbm>> -> memref<1x128x64xf32, #tpu.memory_space<hbm>>
      %dma_start3A_88 = tpu.memref_squeeze %dma_start3A_87 : memref<1x128x64xf32, #tpu.memory_space<hbm>> -> memref<128x64xf32, #tpu.memory_space<hbm>>
      %dma_start3A_89 = arith.constant 0 : i32
      %dma_start3A_90 = tpu.memref_slice %arg7[%arg0, %add3A_69, %dma_start3A_89] : memref<2x10240x64xf32, #tpu.memory_space<hbm>> -> memref<1x128x64xf32, #tpu.memory_space<hbm>>
      %dma_start3A_91 = tpu.memref_squeeze %dma_start3A_90 : memref<1x128x64xf32, #tpu.memory_space<hbm>> -> memref<128x64xf32, #tpu.memory_space<hbm>>
      tpu.enqueue_dma source(%arg13 : memref<128x64xf32, #tpu.memory_space<vmem>>) target(%dma_start3A_91 : memref<128x64xf32, #tpu.memory_space<hbm>>) target_semaphore(%run_scoped3A_86 : memref<!tpu.dma_semaphore, #tpu.memory_space<semaphore_mem>>)
      %dma_wait3A = arith.constant 0 : i32
      %dma_wait3A_92 = tpu.memref_slice %arg7[%arg0, %add3A_69, %dma_wait3A] : memref<2x10240x64xf32, #tpu.memory_space<hbm>> -> memref<1x128x64xf32, #tpu.memory_space<hbm>>
      %dma_wait3A_93 = tpu.memref_squeeze %dma_wait3A_92 : memref<1x128x64xf32, #tpu.memory_space<hbm>> -> memref<128x64xf32, #tpu.memory_space<hbm>>
      %dma_wait3A_94 = arith.constant 0 : i32
      %dma_wait3A_95 = tpu.memref_slice %arg7[%arg0, %add3A_69, %dma_wait3A_94] : memref<2x10240x64xf32, #tpu.memory_space<hbm>> -> memref<1x128x64xf32, #tpu.memory_space<hbm>>
      %dma_wait3A_96 = tpu.memref_squeeze %dma_wait3A_95 : memref<1x128x64xf32, #tpu.memory_space<hbm>> -> memref<128x64xf32, #tpu.memory_space<hbm>>
      tpu.wait_dma2 semaphore(%run_scoped3A_86 : memref<!tpu.dma_semaphore, #tpu.memory_space<semaphore_mem>>) src(%arg13 : memref<128x64xf32, #tpu.memory_space<vmem>>) dst(%dma_wait3A_96 : memref<128x64xf32, #tpu.memory_space<hbm>>)
      tpu.yield
    }) : () -> ()
    %mul3A_70 = arith.constant 640 : i32
    %mul3A_71 = arith.muli %arg1, %mul3A_70 : i32
    %add3A_72 = arith.constant 384 : i32
    %add3A_73 = arith.addi %mul3A_71, %add3A_72 : i32
    "tpu.region"() ({
      %run_scoped3A_86 = tpu.sem_alloc : memref<!tpu.dma_semaphore, #tpu.memory_space<semaphore_mem>>
      %dma_start3A = arith.constant 0 : i32
      %dma_start3A_87 = tpu.memref_slice %arg14[%add3A_73, %dma_start3A] : memref<10240x64xf32, #tpu.memory_space<vmem_shared>> -> memref<128x64xf32, #tpu.memory_space<vmem_shared>>
      %dma_start3A_88 = arith.constant 0 : i32
      %dma_start3A_89 = tpu.memref_slice %arg14[%add3A_73, %dma_start3A_88] : memref<10240x64xf32, #tpu.memory_space<vmem_shared>> -> memref<128x64xf32, #tpu.memory_space<vmem_shared>>
      tpu.enqueue_dma source(%dma_start3A_89 : memref<128x64xf32, #tpu.memory_space<vmem_shared>>) target(%arg13 : memref<128x64xf32, #tpu.memory_space<vmem>>) target_semaphore(%run_scoped3A_86 : memref<!tpu.dma_semaphore, #tpu.memory_space<semaphore_mem>>)
      %dma_wait3A = arith.constant 0 : i32
      %dma_wait3A_90 = tpu.memref_slice %arg14[%add3A_73, %dma_wait3A] : memref<10240x64xf32, #tpu.memory_space<vmem_shared>> -> memref<128x64xf32, #tpu.memory_space<vmem_shared>>
      %dma_wait3A_91 = arith.constant 0 : i32
      %dma_wait3A_92 = tpu.memref_slice %arg14[%add3A_73, %dma_wait3A_91] : memref<10240x64xf32, #tpu.memory_space<vmem_shared>> -> memref<128x64xf32, #tpu.memory_space<vmem_shared>>
      tpu.wait_dma2 semaphore(%run_scoped3A_86 : memref<!tpu.dma_semaphore, #tpu.memory_space<semaphore_mem>>) src(%dma_wait3A_92 : memref<128x64xf32, #tpu.memory_space<vmem_shared>>) dst(%arg13 : memref<128x64xf32, #tpu.memory_space<vmem>>)
      tpu.yield
    }) : () -> ()
    %mul3A_74 = arith.constant 640 : i32
    %mul3A_75 = arith.muli %arg1, %mul3A_74 : i32
    %add3A_76 = arith.constant 384 : i32
    %add3A_77 = arith.addi %mul3A_75, %add3A_76 : i32
    "tpu.region"() ({
      %run_scoped3A_86 = tpu.sem_alloc : memref<!tpu.dma_semaphore, #tpu.memory_space<semaphore_mem>>
      %dma_start3A = arith.constant 0 : i32
      %dma_start3A_87 = tpu.memref_slice %arg7[%arg0, %add3A_77, %dma_start3A] : memref<2x10240x64xf32, #tpu.memory_space<hbm>> -> memref<1x128x64xf32, #tpu.memory_space<hbm>>
      %dma_start3A_88 = tpu.memref_squeeze %dma_start3A_87 : memref<1x128x64xf32, #tpu.memory_space<hbm>> -> memref<128x64xf32, #tpu.memory_space<hbm>>
      %dma_start3A_89 = arith.constant 0 : i32
      %dma_start3A_90 = tpu.memref_slice %arg7[%arg0, %add3A_77, %dma_start3A_89] : memref<2x10240x64xf32, #tpu.memory_space<hbm>> -> memref<1x128x64xf32, #tpu.memory_space<hbm>>
      %dma_start3A_91 = tpu.memref_squeeze %dma_start3A_90 : memref<1x128x64xf32, #tpu.memory_space<hbm>> -> memref<128x64xf32, #tpu.memory_space<hbm>>
      tpu.enqueue_dma source(%arg13 : memref<128x64xf32, #tpu.memory_space<vmem>>) target(%dma_start3A_91 : memref<128x64xf32, #tpu.memory_space<hbm>>) target_semaphore(%run_scoped3A_86 : memref<!tpu.dma_semaphore, #tpu.memory_space<semaphore_mem>>)
      %dma_wait3A = arith.constant 0 : i32
      %dma_wait3A_92 = tpu.memref_slice %arg7[%arg0, %add3A_77, %dma_wait3A] : memref<2x10240x64xf32, #tpu.memory_space<hbm>> -> memref<1x128x64xf32, #tpu.memory_space<hbm>>
      %dma_wait3A_93 = tpu.memref_squeeze %dma_wait3A_92 : memref<1x128x64xf32, #tpu.memory_space<hbm>> -> memref<128x64xf32, #tpu.memory_space<hbm>>
      %dma_wait3A_94 = arith.constant 0 : i32
      %dma_wait3A_95 = tpu.memref_slice %arg7[%arg0, %add3A_77, %dma_wait3A_94] : memref<2x10240x64xf32, #tpu.memory_space<hbm>> -> memref<1x128x64xf32, #tpu.memory_space<hbm>>
      %dma_wait3A_96 = tpu.memref_squeeze %dma_wait3A_95 : memref<1x128x64xf32, #tpu.memory_space<hbm>> -> memref<128x64xf32, #tpu.memory_space<hbm>>
      tpu.wait_dma2 semaphore(%run_scoped3A_86 : memref<!tpu.dma_semaphore, #tpu.memory_space<semaphore_mem>>) src(%arg13 : memref<128x64xf32, #tpu.memory_space<vmem>>) dst(%dma_wait3A_96 : memref<128x64xf32, #tpu.memory_space<hbm>>)
      tpu.yield
    }) : () -> ()
    %mul3A_78 = arith.constant 640 : i32
    %mul3A_79 = arith.muli %arg1, %mul3A_78 : i32
    %add3A_80 = arith.constant 512 : i32
    %add3A_81 = arith.addi %mul3A_79, %add3A_80 : i32
    "tpu.region"() ({
      %run_scoped3A_86 = tpu.sem_alloc : memref<!tpu.dma_semaphore, #tpu.memory_space<semaphore_mem>>
      %dma_start3A = arith.constant 0 : i32
      %dma_start3A_87 = tpu.memref_slice %arg14[%add3A_81, %dma_start3A] : memref<10240x64xf32, #tpu.memory_space<vmem_shared>> -> memref<128x64xf32, #tpu.memory_space<vmem_shared>>
      %dma_start3A_88 = arith.constant 0 : i32
      %dma_start3A_89 = tpu.memref_slice %arg14[%add3A_81, %dma_start3A_88] : memref<10240x64xf32, #tpu.memory_space<vmem_shared>> -> memref<128x64xf32, #tpu.memory_space<vmem_shared>>
      tpu.enqueue_dma source(%dma_start3A_89 : memref<128x64xf32, #tpu.memory_space<vmem_shared>>) target(%arg13 : memref<128x64xf32, #tpu.memory_space<vmem>>) target_semaphore(%run_scoped3A_86 : memref<!tpu.dma_semaphore, #tpu.memory_space<semaphore_mem>>)
      %dma_wait3A = arith.constant 0 : i32
      %dma_wait3A_90 = tpu.memref_slice %arg14[%add3A_81, %dma_wait3A] : memref<10240x64xf32, #tpu.memory_space<vmem_shared>> -> memref<128x64xf32, #tpu.memory_space<vmem_shared>>
      %dma_wait3A_91 = arith.constant 0 : i32
      %dma_wait3A_92 = tpu.memref_slice %arg14[%add3A_81, %dma_wait3A_91] : memref<10240x64xf32, #tpu.memory_space<vmem_shared>> -> memref<128x64xf32, #tpu.memory_space<vmem_shared>>
      tpu.wait_dma2 semaphore(%run_scoped3A_86 : memref<!tpu.dma_semaphore, #tpu.memory_space<semaphore_mem>>) src(%dma_wait3A_92 : memref<128x64xf32, #tpu.memory_space<vmem_shared>>) dst(%arg13 : memref<128x64xf32, #tpu.memory_space<vmem>>)
      tpu.yield
    }) : () -> ()
    %mul3A_82 = arith.constant 640 : i32
    %mul3A_83 = arith.muli %arg1, %mul3A_82 : i32
    %add3A_84 = arith.constant 512 : i32
    %add3A_85 = arith.addi %mul3A_83, %add3A_84 : i32
    "tpu.region"() ({
      %run_scoped3A_86 = tpu.sem_alloc : memref<!tpu.dma_semaphore, #tpu.memory_space<semaphore_mem>>
      %dma_start3A = arith.constant 0 : i32
      %dma_start3A_87 = tpu.memref_slice %arg7[%arg0, %add3A_85, %dma_start3A] : memref<2x10240x64xf32, #tpu.memory_space<hbm>> -> memref<1x128x64xf32, #tpu.memory_space<hbm>>
      %dma_start3A_88 = tpu.memref_squeeze %dma_start3A_87 : memref<1x128x64xf32, #tpu.memory_space<hbm>> -> memref<128x64xf32, #tpu.memory_space<hbm>>
      %dma_start3A_89 = arith.constant 0 : i32
      %dma_start3A_90 = tpu.memref_slice %arg7[%arg0, %add3A_85, %dma_start3A_89] : memref<2x10240x64xf32, #tpu.memory_space<hbm>> -> memref<1x128x64xf32, #tpu.memory_space<hbm>>
      %dma_start3A_91 = tpu.memref_squeeze %dma_start3A_90 : memref<1x128x64xf32, #tpu.memory_space<hbm>> -> memref<128x64xf32, #tpu.memory_space<hbm>>
      tpu.enqueue_dma source(%arg13 : memref<128x64xf32, #tpu.memory_space<vmem>>) target(%dma_start3A_91 : memref<128x64xf32, #tpu.memory_space<hbm>>) target_semaphore(%run_scoped3A_86 : memref<!tpu.dma_semaphore, #tpu.memory_space<semaphore_mem>>)
      %dma_wait3A = arith.constant 0 : i32
      %dma_wait3A_92 = tpu.memref_slice %arg7[%arg0, %add3A_85, %dma_wait3A] : memref<2x10240x64xf32, #tpu.memory_space<hbm>> -> memref<1x128x64xf32, #tpu.memory_space<hbm>>
      %dma_wait3A_93 = tpu.memref_squeeze %dma_wait3A_92 : memref<1x128x64xf32, #tpu.memory_space<hbm>> -> memref<128x64xf32, #tpu.memory_space<hbm>>
      %dma_wait3A_94 = arith.constant 0 : i32
      %dma_wait3A_95 = tpu.memref_slice %arg7[%arg0, %add3A_85, %dma_wait3A_94] : memref<2x10240x64xf32, #tpu.memory_space<hbm>> -> memref<1x128x64xf32, #tpu.memory_space<hbm>>
      %dma_wait3A_96 = tpu.memref_squeeze %dma_wait3A_95 : memref<1x128x64xf32, #tpu.memory_space<hbm>> -> memref<128x64xf32, #tpu.memory_space<hbm>>
      tpu.wait_dma2 semaphore(%run_scoped3A_86 : memref<!tpu.dma_semaphore, #tpu.memory_space<semaphore_mem>>) src(%arg13 : memref<128x64xf32, #tpu.memory_space<vmem>>) dst(%dma_wait3A_96 : memref<128x64xf32, #tpu.memory_space<hbm>>)
      tpu.yield
    }) : () -> ()
    return
  }
}

#map = affine_map<(d0, d1) -> (0)>
#map1 = affine_map<(d0, d1) -> (0, 0)>
module attributes {stable_mosaic.version = 14 : i64} {
  func.func @_sc_edge_logits(%arg0: i32, %arg1: i32, %arg2: memref<10240xf32, #tpu.memory_space<hbm>>, %arg3: memref<10240xf32, #tpu.memory_space<hbm>>, %arg4: memref<2560x128xi32, #tpu.memory_space<hbm>>, %arg5: memref<2560x128xi32, #tpu.memory_space<hbm>>, %arg6: memref<2560x128xf32, #tpu.memory_space<hbm>>, %arg7: memref<2x10240xf32, #tpu.memory_space<hbm>>, %arg8: memref<10240xf32, #tpu.memory_space<vmem>>, %arg9: memref<10240xf32, #tpu.memory_space<vmem>>, %arg10: memref<80x128xi32, #tpu.memory_space<vmem>>, %arg11: memref<80x128xi32, #tpu.memory_space<vmem>>, %arg12: memref<80x128xf32, #tpu.memory_space<vmem>>, %arg13: memref<640xf32, #tpu.memory_space<vmem>>, %arg14: memref<10240xf32, #tpu.memory_space<vmem_shared>>) attributes {dimension_semantics = [#tpu.dimension_semantics<core_parallel>, #tpu.dimension_semantics<subcore_parallel>], iteration_bounds = array<i64: 2, 16>, scalar_prefetch = 0 : i64, scratch_operands = 7 : i64, tpu.core_type = #tpu.core_type<sc_vector_subcore>, window_params = [{transform_indices = #map}, {transform_indices = #map}, {transform_indices = #map1}, {transform_indices = #map1}, {transform_indices = #map1}, {transform_indices = #map1}]} {
    %mul3A = arith.constant 2 : i32
    %mul3A_0 = arith.muli %arg1, %mul3A : i32
    %add3A = arith.addi %mul3A_0, %arg0 : i32
    %broadcast_in_dim3A = arith.constant 0.000000e+00 : f32
    %broadcast_in_dim3A_1 = vector.broadcast %broadcast_in_dim3A : f32 to vector<16xf32>
    %scan3A = arith.constant 0 : i32
    %scan3A_2 = arith.constant 0 : i32
    %scan3A_3 = arith.constant 40 : i32
    %scan3A_4 = arith.addi %scan3A_2, %scan3A_3 : i32
    %scan3A_5 = arith.constant 1 : i32
    scf.for %scan3A_26 = %scan3A_2 to %scan3A_4 step %scan3A_5  : i32 {
      %mul3A_27 = arith.constant 16 : i32
      %mul3A_28 = arith.muli %scan3A_26, %mul3A_27 : i32
      %swap3A = arith.index_cast %mul3A_28 : i32 to index
      %swap3A_29 = tpu.vector_load %arg13[%swap3A] {strides = array<i32>} : memref<640xf32, #tpu.memory_space<vmem>>, vector<16xf32>,
      tpu.vector_store %arg13[%swap3A], %broadcast_in_dim3A_1 {strides = array<i32>} : memref<640xf32, #tpu.memory_space<vmem>>, vector<16xf32>,
    }
    %scan3A_6 = arith.constant 40 : i32
    %mul3A_7 = arith.constant 640 : i32
    %mul3A_8 = arith.muli %arg1, %mul3A_7 : i32
    "tpu.region"() ({
      %run_scoped3A = tpu.sem_alloc : memref<!tpu.dma_semaphore, #tpu.memory_space<semaphore_mem>>
      %dma_start3A = tpu.memref_slice %arg14[%mul3A_8] : memref<10240xf32, #tpu.memory_space<vmem_shared>> -> memref<640xf32, #tpu.memory_space<vmem_shared>>
      %dma_start3A_26 = tpu.memref_slice %arg14[%mul3A_8] : memref<10240xf32, #tpu.memory_space<vmem_shared>> -> memref<640xf32, #tpu.memory_space<vmem_shared>>
      tpu.enqueue_dma source(%arg13 : memref<640xf32, #tpu.memory_space<vmem>>) target(%dma_start3A_26 : memref<640xf32, #tpu.memory_space<vmem_shared>>) target_semaphore(%run_scoped3A : memref<!tpu.dma_semaphore, #tpu.memory_space<semaphore_mem>>)
      %dma_wait3A = tpu.memref_slice %arg14[%mul3A_8] : memref<10240xf32, #tpu.memory_space<vmem_shared>> -> memref<640xf32, #tpu.memory_space<vmem_shared>>
      %dma_wait3A_27 = tpu.memref_slice %arg14[%mul3A_8] : memref<10240xf32, #tpu.memory_space<vmem_shared>> -> memref<640xf32, #tpu.memory_space<vmem_shared>>
      tpu.wait_dma2 semaphore(%run_scoped3A : memref<!tpu.dma_semaphore, #tpu.memory_space<semaphore_mem>>) src(%arg13 : memref<640xf32, #tpu.memory_space<vmem>>) dst(%dma_wait3A_27 : memref<640xf32, #tpu.memory_space<vmem_shared>>)
      tpu.yield
    }) : () -> ()
    "tpu.region"() ({
      %run_scoped3A = tpu.sem_alloc : memref<!tpu.dma_semaphore, #tpu.memory_space<semaphore_mem>>
      tpu.enqueue_dma source(%arg2 : memref<10240xf32, #tpu.memory_space<hbm>>) target(%arg8 : memref<10240xf32, #tpu.memory_space<vmem>>) target_semaphore(%run_scoped3A : memref<!tpu.dma_semaphore, #tpu.memory_space<semaphore_mem>>)
      tpu.wait_dma2 semaphore(%run_scoped3A : memref<!tpu.dma_semaphore, #tpu.memory_space<semaphore_mem>>) src(%arg2 : memref<10240xf32, #tpu.memory_space<hbm>>) dst(%arg8 : memref<10240xf32, #tpu.memory_space<vmem>>)
      tpu.yield
    }) : () -> ()
    "tpu.region"() ({
      %run_scoped3A = tpu.sem_alloc : memref<!tpu.dma_semaphore, #tpu.memory_space<semaphore_mem>>
      tpu.enqueue_dma source(%arg3 : memref<10240xf32, #tpu.memory_space<hbm>>) target(%arg9 : memref<10240xf32, #tpu.memory_space<vmem>>) target_semaphore(%run_scoped3A : memref<!tpu.dma_semaphore, #tpu.memory_space<semaphore_mem>>)
      tpu.wait_dma2 semaphore(%run_scoped3A : memref<!tpu.dma_semaphore, #tpu.memory_space<semaphore_mem>>) src(%arg3 : memref<10240xf32, #tpu.memory_space<hbm>>) dst(%arg9 : memref<10240xf32, #tpu.memory_space<vmem>>)
      tpu.yield
    }) : () -> ()
    %mul3A_9 = arith.constant 80 : i32
    %mul3A_10 = arith.muli %add3A, %mul3A_9 : i32
    "tpu.region"() ({
      %run_scoped3A = tpu.sem_alloc : memref<!tpu.dma_semaphore, #tpu.memory_space<semaphore_mem>>
      %dma_start3A = arith.constant 0 : i32
      %dma_start3A_26 = tpu.memref_slice %arg4[%mul3A_10, %dma_start3A] : memref<2560x128xi32, #tpu.memory_space<hbm>> -> memref<80x128xi32, #tpu.memory_space<hbm>>
      %dma_start3A_27 = arith.constant 0 : i32
      %dma_start3A_28 = tpu.memref_slice %arg4[%mul3A_10, %dma_start3A_27] : memref<2560x128xi32, #tpu.memory_space<hbm>> -> memref<80x128xi32, #tpu.memory_space<hbm>>
      tpu.enqueue_dma source(%dma_start3A_28 : memref<80x128xi32, #tpu.memory_space<hbm>>) target(%arg10 : memref<80x128xi32, #tpu.memory_space<vmem>>) target_semaphore(%run_scoped3A : memref<!tpu.dma_semaphore, #tpu.memory_space<semaphore_mem>>)
      %dma_wait3A = arith.constant 0 : i32
      %dma_wait3A_29 = tpu.memref_slice %arg4[%mul3A_10, %dma_wait3A] : memref<2560x128xi32, #tpu.memory_space<hbm>> -> memref<80x128xi32, #tpu.memory_space<hbm>>
      %dma_wait3A_30 = arith.constant 0 : i32
      %dma_wait3A_31 = tpu.memref_slice %arg4[%mul3A_10, %dma_wait3A_30] : memref<2560x128xi32, #tpu.memory_space<hbm>> -> memref<80x128xi32, #tpu.memory_space<hbm>>
      tpu.wait_dma2 semaphore(%run_scoped3A : memref<!tpu.dma_semaphore, #tpu.memory_space<semaphore_mem>>) src(%dma_wait3A_31 : memref<80x128xi32, #tpu.memory_space<hbm>>) dst(%arg10 : memref<80x128xi32, #tpu.memory_space<vmem>>)
      tpu.yield
    }) : () -> ()
    %mul3A_11 = arith.constant 80 : i32
    %mul3A_12 = arith.muli %add3A, %mul3A_11 : i32
    "tpu.region"() ({
      %run_scoped3A = tpu.sem_alloc : memref<!tpu.dma_semaphore, #tpu.memory_space<semaphore_mem>>
      %dma_start3A = arith.constant 0 : i32
      %dma_start3A_26 = tpu.memref_slice %arg5[%mul3A_12, %dma_start3A] : memref<2560x128xi32, #tpu.memory_space<hbm>> -> memref<80x128xi32, #tpu.memory_space<hbm>>
      %dma_start3A_27 = arith.constant 0 : i32
      %dma_start3A_28 = tpu.memref_slice %arg5[%mul3A_12, %dma_start3A_27] : memref<2560x128xi32, #tpu.memory_space<hbm>> -> memref<80x128xi32, #tpu.memory_space<hbm>>
      tpu.enqueue_dma source(%dma_start3A_28 : memref<80x128xi32, #tpu.memory_space<hbm>>) target(%arg11 : memref<80x128xi32, #tpu.memory_space<vmem>>) target_semaphore(%run_scoped3A : memref<!tpu.dma_semaphore, #tpu.memory_space<semaphore_mem>>)
      %dma_wait3A = arith.constant 0 : i32
      %dma_wait3A_29 = tpu.memref_slice %arg5[%mul3A_12, %dma_wait3A] : memref<2560x128xi32, #tpu.memory_space<hbm>> -> memref<80x128xi32, #tpu.memory_space<hbm>>
      %dma_wait3A_30 = arith.constant 0 : i32
      %dma_wait3A_31 = tpu.memref_slice %arg5[%mul3A_12, %dma_wait3A_30] : memref<2560x128xi32, #tpu.memory_space<hbm>> -> memref<80x128xi32, #tpu.memory_space<hbm>>
      tpu.wait_dma2 semaphore(%run_scoped3A : memref<!tpu.dma_semaphore, #tpu.memory_space<semaphore_mem>>) src(%dma_wait3A_31 : memref<80x128xi32, #tpu.memory_space<hbm>>) dst(%arg11 : memref<80x128xi32, #tpu.memory_space<vmem>>)
      tpu.yield
    }) : () -> ()
    %barrier3A = arith.constant 0 : index
    tpu.barrier barrier_id(%barrier3A)
    %scan3A_13 = arith.constant 0 : i32
    %scan3A_14 = arith.constant 0 : i32
    %scan3A_15 = arith.constant 80 : i32
    %scan3A_16 = arith.addi %scan3A_14, %scan3A_15 : i32
    %scan3A_17 = arith.constant 1 : i32
    scf.for %scan3A_26 = %scan3A_14 to %scan3A_16 step %scan3A_17  : i32 {
      %get3A = arith.index_cast %scan3A_26 : i32 to index
      %get3A_27 = arith.constant 0 : index
      %get3A_28 = tpu.vector_load %arg10[%get3A, %get3A_27] {strides = array<i32>} : memref<80x128xi32, #tpu.memory_space<vmem>>, vector<16xi32>,
      %get3A_29 = arith.index_cast %scan3A_26 : i32 to index
      %get3A_30 = arith.constant 0 : index
      %get3A_31 = tpu.vector_load %arg11[%get3A_29, %get3A_30] {strides = array<i32>} : memref<80x128xi32, #tpu.memory_space<vmem>>, vector<16xi32>,
      %gather3A = tpu.vector_load_idx %arg8[%get3A_28] : memref<10240xf32, #tpu.memory_space<vmem>>[vector<16xi32>], vector<16xf32>,
      %gather3A_32 = tpu.vector_load_idx %arg9[%get3A_31] : memref<10240xf32, #tpu.memory_space<vmem>>[vector<16xi32>], vector<16xf32>,
      %add3A_33 = arith.addf %gather3A, %gather3A_32 : vector<16xf32>
      %lt3A = arith.constant 0.000000e+00 : f32
      %lt3A_34 = vector.broadcast %lt3A : f32 to vector<16xf32>
      %lt3A_35 = arith.cmpf olt, %add3A_33, %lt3A_34 : vector<16xf32>
      %mul3A_36 = arith.constant 2.000000e-01 : f32
      %mul3A_37 = vector.broadcast %mul3A_36 : f32 to vector<16xf32>
      %mul3A_38 = arith.mulf %add3A_33, %mul3A_37 : vector<16xf32>
      %select_n3A = arith.select %lt3A_35, %mul3A_38, %add3A_33 : vector<16xi1>, vector<16xf32>
      %exp3A = math.exp %select_n3A : vector<16xf32>
      %swap3A = arith.index_cast %scan3A_26 : i32 to index
      %swap3A_39 = arith.constant 0 : index
      %swap3A_40 = tpu.vector_load %arg12[%swap3A, %swap3A_39] {strides = array<i32>} : memref<80x128xf32, #tpu.memory_space<vmem>>, vector<16xf32>,
      tpu.vector_store %arg12[%swap3A, %swap3A_39], %exp3A {strides = array<i32>} : memref<80x128xf32, #tpu.memory_space<vmem>>, vector<16xf32>,
      %get3A_41 = arith.index_cast %scan3A_26 : i32 to index
      %get3A_42 = arith.constant 16 : index
      %get3A_43 = tpu.vector_load %arg10[%get3A_41, %get3A_42] {strides = array<i32>} : memref<80x128xi32, #tpu.memory_space<vmem>>, vector<16xi32>,
      %get3A_44 = arith.index_cast %scan3A_26 : i32 to index
      %get3A_45 = arith.constant 16 : index
      %get3A_46 = tpu.vector_load %arg11[%get3A_44, %get3A_45] {strides = array<i32>} : memref<80x128xi32, #tpu.memory_space<vmem>>, vector<16xi32>,
      %gather3A_47 = tpu.vector_load_idx %arg8[%get3A_43] : memref<10240xf32, #tpu.memory_space<vmem>>[vector<16xi32>], vector<16xf32>,
      %gather3A_48 = tpu.vector_load_idx %arg9[%get3A_46] : memref<10240xf32, #tpu.memory_space<vmem>>[vector<16xi32>], vector<16xf32>,
      %add3A_49 = arith.addf %gather3A_47, %gather3A_48 : vector<16xf32>
      %lt3A_50 = arith.constant 0.000000e+00 : f32
      %lt3A_51 = vector.broadcast %lt3A_50 : f32 to vector<16xf32>
      %lt3A_52 = arith.cmpf olt, %add3A_49, %lt3A_51 : vector<16xf32>
      %mul3A_53 = arith.constant 2.000000e-01 : f32
      %mul3A_54 = vector.broadcast %mul3A_53 : f32 to vector<16xf32>
      %mul3A_55 = arith.mulf %add3A_49, %mul3A_54 : vector<16xf32>
      %select_n3A_56 = arith.select %lt3A_52, %mul3A_55, %add3A_49 : vector<16xi1>, vector<16xf32>
      %exp3A_57 = math.exp %select_n3A_56 : vector<16xf32>
      %swap3A_58 = arith.index_cast %scan3A_26 : i32 to index
      %swap3A_59 = arith.constant 16 : index
      %swap3A_60 = tpu.vector_load %arg12[%swap3A_58, %swap3A_59] {strides = array<i32>} : memref<80x128xf32, #tpu.memory_space<vmem>>, vector<16xf32>,
      tpu.vector_store %arg12[%swap3A_58, %swap3A_59], %exp3A_57 {strides = array<i32>} : memref<80x128xf32, #tpu.memory_space<vmem>>, vector<16xf32>,
      %get3A_61 = arith.index_cast %scan3A_26 : i32 to index
      %get3A_62 = arith.constant 32 : index
      %get3A_63 = tpu.vector_load %arg10[%get3A_61, %get3A_62] {strides = array<i32>} : memref<80x128xi32, #tpu.memory_space<vmem>>, vector<16xi32>,
      %get3A_64 = arith.index_cast %scan3A_26 : i32 to index
      %get3A_65 = arith.constant 32 : index
      %get3A_66 = tpu.vector_load %arg11[%get3A_64, %get3A_65] {strides = array<i32>} : memref<80x128xi32, #tpu.memory_space<vmem>>, vector<16xi32>,
      %gather3A_67 = tpu.vector_load_idx %arg8[%get3A_63] : memref<10240xf32, #tpu.memory_space<vmem>>[vector<16xi32>], vector<16xf32>,
      %gather3A_68 = tpu.vector_load_idx %arg9[%get3A_66] : memref<10240xf32, #tpu.memory_space<vmem>>[vector<16xi32>], vector<16xf32>,
      %add3A_69 = arith.addf %gather3A_67, %gather3A_68 : vector<16xf32>
      %lt3A_70 = arith.constant 0.000000e+00 : f32
      %lt3A_71 = vector.broadcast %lt3A_70 : f32 to vector<16xf32>
      %lt3A_72 = arith.cmpf olt, %add3A_69, %lt3A_71 : vector<16xf32>
      %mul3A_73 = arith.constant 2.000000e-01 : f32
      %mul3A_74 = vector.broadcast %mul3A_73 : f32 to vector<16xf32>
      %mul3A_75 = arith.mulf %add3A_69, %mul3A_74 : vector<16xf32>
      %select_n3A_76 = arith.select %lt3A_72, %mul3A_75, %add3A_69 : vector<16xi1>, vector<16xf32>
      %exp3A_77 = math.exp %select_n3A_76 : vector<16xf32>
      %swap3A_78 = arith.index_cast %scan3A_26 : i32 to index
      %swap3A_79 = arith.constant 32 : index
      %swap3A_80 = tpu.vector_load %arg12[%swap3A_78, %swap3A_79] {strides = array<i32>} : memref<80x128xf32, #tpu.memory_space<vmem>>, vector<16xf32>,
      tpu.vector_store %arg12[%swap3A_78, %swap3A_79], %exp3A_77 {strides = array<i32>} : memref<80x128xf32, #tpu.memory_space<vmem>>, vector<16xf32>,
      %get3A_81 = arith.index_cast %scan3A_26 : i32 to index
      %get3A_82 = arith.constant 48 : index
      %get3A_83 = tpu.vector_load %arg10[%get3A_81, %get3A_82] {strides = array<i32>} : memref<80x128xi32, #tpu.memory_space<vmem>>, vector<16xi32>,
      %get3A_84 = arith.index_cast %scan3A_26 : i32 to index
      %get3A_85 = arith.constant 48 : index
      %get3A_86 = tpu.vector_load %arg11[%get3A_84, %get3A_85] {strides = array<i32>} : memref<80x128xi32, #tpu.memory_space<vmem>>, vector<16xi32>,
      %gather3A_87 = tpu.vector_load_idx %arg8[%get3A_83] : memref<10240xf32, #tpu.memory_space<vmem>>[vector<16xi32>], vector<16xf32>,
      %gather3A_88 = tpu.vector_load_idx %arg9[%get3A_86] : memref<10240xf32, #tpu.memory_space<vmem>>[vector<16xi32>], vector<16xf32>,
      %add3A_89 = arith.addf %gather3A_87, %gather3A_88 : vector<16xf32>
      %lt3A_90 = arith.constant 0.000000e+00 : f32
      %lt3A_91 = vector.broadcast %lt3A_90 : f32 to vector<16xf32>
      %lt3A_92 = arith.cmpf olt, %add3A_89, %lt3A_91 : vector<16xf32>
      %mul3A_93 = arith.constant 2.000000e-01 : f32
      %mul3A_94 = vector.broadcast %mul3A_93 : f32 to vector<16xf32>
      %mul3A_95 = arith.mulf %add3A_89, %mul3A_94 : vector<16xf32>
      %select_n3A_96 = arith.select %lt3A_92, %mul3A_95, %add3A_89 : vector<16xi1>, vector<16xf32>
      %exp3A_97 = math.exp %select_n3A_96 : vector<16xf32>
      %swap3A_98 = arith.index_cast %scan3A_26 : i32 to index
      %swap3A_99 = arith.constant 48 : index
      %swap3A_100 = tpu.vector_load %arg12[%swap3A_98, %swap3A_99] {strides = array<i32>} : memref<80x128xf32, #tpu.memory_space<vmem>>, vector<16xf32>,
      tpu.vector_store %arg12[%swap3A_98, %swap3A_99], %exp3A_97 {strides = array<i32>} : memref<80x128xf32, #tpu.memory_space<vmem>>, vector<16xf32>,
      %get3A_101 = arith.index_cast %scan3A_26 : i32 to index
      %get3A_102 = arith.constant 64 : index
      %get3A_103 = tpu.vector_load %arg10[%get3A_101, %get3A_102] {strides = array<i32>} : memref<80x128xi32, #tpu.memory_space<vmem>>, vector<16xi32>,
      %get3A_104 = arith.index_cast %scan3A_26 : i32 to index
      %get3A_105 = arith.constant 64 : index
      %get3A_106 = tpu.vector_load %arg11[%get3A_104, %get3A_105] {strides = array<i32>} : memref<80x128xi32, #tpu.memory_space<vmem>>, vector<16xi32>,
      %gather3A_107 = tpu.vector_load_idx %arg8[%get3A_103] : memref<10240xf32, #tpu.memory_space<vmem>>[vector<16xi32>], vector<16xf32>,
      %gather3A_108 = tpu.vector_load_idx %arg9[%get3A_106] : memref<10240xf32, #tpu.memory_space<vmem>>[vector<16xi32>], vector<16xf32>,
      %add3A_109 = arith.addf %gather3A_107, %gather3A_108 : vector<16xf32>
      %lt3A_110 = arith.constant 0.000000e+00 : f32
      %lt3A_111 = vector.broadcast %lt3A_110 : f32 to vector<16xf32>
      %lt3A_112 = arith.cmpf olt, %add3A_109, %lt3A_111 : vector<16xf32>
      %mul3A_113 = arith.constant 2.000000e-01 : f32
      %mul3A_114 = vector.broadcast %mul3A_113 : f32 to vector<16xf32>
      %mul3A_115 = arith.mulf %add3A_109, %mul3A_114 : vector<16xf32>
      %select_n3A_116 = arith.select %lt3A_112, %mul3A_115, %add3A_109 : vector<16xi1>, vector<16xf32>
      %exp3A_117 = math.exp %select_n3A_116 : vector<16xf32>
      %swap3A_118 = arith.index_cast %scan3A_26 : i32 to index
      %swap3A_119 = arith.constant 64 : index
      %swap3A_120 = tpu.vector_load %arg12[%swap3A_118, %swap3A_119] {strides = array<i32>} : memref<80x128xf32, #tpu.memory_space<vmem>>, vector<16xf32>,
      tpu.vector_store %arg12[%swap3A_118, %swap3A_119], %exp3A_117 {strides = array<i32>} : memref<80x128xf32, #tpu.memory_space<vmem>>, vector<16xf32>,
      %get3A_121 = arith.index_cast %scan3A_26 : i32 to index
      %get3A_122 = arith.constant 80 : index
      %get3A_123 = tpu.vector_load %arg10[%get3A_121, %get3A_122] {strides = array<i32>} : memref<80x128xi32, #tpu.memory_space<vmem>>, vector<16xi32>,
      %get3A_124 = arith.index_cast %scan3A_26 : i32 to index
      %get3A_125 = arith.constant 80 : index
      %get3A_126 = tpu.vector_load %arg11[%get3A_124, %get3A_125] {strides = array<i32>} : memref<80x128xi32, #tpu.memory_space<vmem>>, vector<16xi32>,
      %gather3A_127 = tpu.vector_load_idx %arg8[%get3A_123] : memref<10240xf32, #tpu.memory_space<vmem>>[vector<16xi32>], vector<16xf32>,
      %gather3A_128 = tpu.vector_load_idx %arg9[%get3A_126] : memref<10240xf32, #tpu.memory_space<vmem>>[vector<16xi32>], vector<16xf32>,
      %add3A_129 = arith.addf %gather3A_127, %gather3A_128 : vector<16xf32>
      %lt3A_130 = arith.constant 0.000000e+00 : f32
      %lt3A_131 = vector.broadcast %lt3A_130 : f32 to vector<16xf32>
      %lt3A_132 = arith.cmpf olt, %add3A_129, %lt3A_131 : vector<16xf32>
      %mul3A_133 = arith.constant 2.000000e-01 : f32
      %mul3A_134 = vector.broadcast %mul3A_133 : f32 to vector<16xf32>
      %mul3A_135 = arith.mulf %add3A_129, %mul3A_134 : vector<16xf32>
      %select_n3A_136 = arith.select %lt3A_132, %mul3A_135, %add3A_129 : vector<16xi1>, vector<16xf32>
      %exp3A_137 = math.exp %select_n3A_136 : vector<16xf32>
      %swap3A_138 = arith.index_cast %scan3A_26 : i32 to index
      %swap3A_139 = arith.constant 80 : index
      %swap3A_140 = tpu.vector_load %arg12[%swap3A_138, %swap3A_139] {strides = array<i32>} : memref<80x128xf32, #tpu.memory_space<vmem>>, vector<16xf32>,
      tpu.vector_store %arg12[%swap3A_138, %swap3A_139], %exp3A_137 {strides = array<i32>} : memref<80x128xf32, #tpu.memory_space<vmem>>, vector<16xf32>,
      %get3A_141 = arith.index_cast %scan3A_26 : i32 to index
      %get3A_142 = arith.constant 96 : index
      %get3A_143 = tpu.vector_load %arg10[%get3A_141, %get3A_142] {strides = array<i32>} : memref<80x128xi32, #tpu.memory_space<vmem>>, vector<16xi32>,
      %get3A_144 = arith.index_cast %scan3A_26 : i32 to index
      %get3A_145 = arith.constant 96 : index
      %get3A_146 = tpu.vector_load %arg11[%get3A_144, %get3A_145] {strides = array<i32>} : memref<80x128xi32, #tpu.memory_space<vmem>>, vector<16xi32>,
      %gather3A_147 = tpu.vector_load_idx %arg8[%get3A_143] : memref<10240xf32, #tpu.memory_space<vmem>>[vector<16xi32>], vector<16xf32>,
      %gather3A_148 = tpu.vector_load_idx %arg9[%get3A_146] : memref<10240xf32, #tpu.memory_space<vmem>>[vector<16xi32>], vector<16xf32>,
      %add3A_149 = arith.addf %gather3A_147, %gather3A_148 : vector<16xf32>
      %lt3A_150 = arith.constant 0.000000e+00 : f32
      %lt3A_151 = vector.broadcast %lt3A_150 : f32 to vector<16xf32>
      %lt3A_152 = arith.cmpf olt, %add3A_149, %lt3A_151 : vector<16xf32>
      %mul3A_153 = arith.constant 2.000000e-01 : f32
      %mul3A_154 = vector.broadcast %mul3A_153 : f32 to vector<16xf32>
      %mul3A_155 = arith.mulf %add3A_149, %mul3A_154 : vector<16xf32>
      %select_n3A_156 = arith.select %lt3A_152, %mul3A_155, %add3A_149 : vector<16xi1>, vector<16xf32>
      %exp3A_157 = math.exp %select_n3A_156 : vector<16xf32>
      %swap3A_158 = arith.index_cast %scan3A_26 : i32 to index
      %swap3A_159 = arith.constant 96 : index
      %swap3A_160 = tpu.vector_load %arg12[%swap3A_158, %swap3A_159] {strides = array<i32>} : memref<80x128xf32, #tpu.memory_space<vmem>>, vector<16xf32>,
      tpu.vector_store %arg12[%swap3A_158, %swap3A_159], %exp3A_157 {strides = array<i32>} : memref<80x128xf32, #tpu.memory_space<vmem>>, vector<16xf32>,
      %get3A_161 = arith.index_cast %scan3A_26 : i32 to index
      %get3A_162 = arith.constant 112 : index
      %get3A_163 = tpu.vector_load %arg10[%get3A_161, %get3A_162] {strides = array<i32>} : memref<80x128xi32, #tpu.memory_space<vmem>>, vector<16xi32>,
      %get3A_164 = arith.index_cast %scan3A_26 : i32 to index
      %get3A_165 = arith.constant 112 : index
      %get3A_166 = tpu.vector_load %arg11[%get3A_164, %get3A_165] {strides = array<i32>} : memref<80x128xi32, #tpu.memory_space<vmem>>, vector<16xi32>,
      %gather3A_167 = tpu.vector_load_idx %arg8[%get3A_163] : memref<10240xf32, #tpu.memory_space<vmem>>[vector<16xi32>], vector<16xf32>,
      %gather3A_168 = tpu.vector_load_idx %arg9[%get3A_166] : memref<10240xf32, #tpu.memory_space<vmem>>[vector<16xi32>], vector<16xf32>,
      %add3A_169 = arith.addf %gather3A_167, %gather3A_168 : vector<16xf32>
      %lt3A_170 = arith.constant 0.000000e+00 : f32
      %lt3A_171 = vector.broadcast %lt3A_170 : f32 to vector<16xf32>
      %lt3A_172 = arith.cmpf olt, %add3A_169, %lt3A_171 : vector<16xf32>
      %mul3A_173 = arith.constant 2.000000e-01 : f32
      %mul3A_174 = vector.broadcast %mul3A_173 : f32 to vector<16xf32>
      %mul3A_175 = arith.mulf %add3A_169, %mul3A_174 : vector<16xf32>
      %select_n3A_176 = arith.select %lt3A_172, %mul3A_175, %add3A_169 : vector<16xi1>, vector<16xf32>
      %exp3A_177 = math.exp %select_n3A_176 : vector<16xf32>
      %swap3A_178 = arith.index_cast %scan3A_26 : i32 to index
      %swap3A_179 = arith.constant 112 : index
      %swap3A_180 = tpu.vector_load %arg12[%swap3A_178, %swap3A_179] {strides = array<i32>} : memref<80x128xf32, #tpu.memory_space<vmem>>, vector<16xf32>,
      tpu.vector_store %arg12[%swap3A_178, %swap3A_179], %exp3A_177 {strides = array<i32>} : memref<80x128xf32, #tpu.memory_space<vmem>>, vector<16xf32>,
      "tpu.region"() ({
        %run_scoped3A = tpu.sem_alloc : memref<!tpu.dma_semaphore, #tpu.memory_space<semaphore_mem>>
        %dma_start3A = arith.constant 0 : i32
        %dma_start3A_181 = tpu.memref_slice %arg12[%scan3A_26, %dma_start3A] : memref<80x128xf32, #tpu.memory_space<vmem>> -> memref<1x128xf32, #tpu.memory_space<vmem>>
        %dma_start3A_182 = tpu.memref_squeeze %dma_start3A_181 : memref<1x128xf32, #tpu.memory_space<vmem>> -> memref<128xf32, #tpu.memory_space<vmem>>
        %dma_start3A_183 = arith.constant 0 : i32
        %dma_start3A_184 = tpu.memref_slice %arg11[%scan3A_26, %dma_start3A_183] : memref<80x128xi32, #tpu.memory_space<vmem>> -> memref<1x128xi32, #tpu.memory_space<vmem>>
        %dma_start3A_185 = tpu.memref_squeeze %dma_start3A_184 : memref<1x128xi32, #tpu.memory_space<vmem>> -> memref<128xi32, #tpu.memory_space<vmem>>
        %dma_start3A_186 = arith.constant 0 : i32
        %dma_start3A_187 = tpu.memref_slice %arg14[%dma_start3A_186] : memref<10240xf32, #tpu.memory_space<vmem_shared>> -> memref<10240xf32, #tpu.memory_space<vmem_shared>>
        tpu.enqueue_indirect_dma source(%dma_start3A_182 : memref<128xf32, #tpu.memory_space<vmem>>) target(%dma_start3A_187 : memref<10240xf32, #tpu.memory_space<vmem_shared>>) offsets(%dma_start3A_185 : memref<128xi32, #tpu.memory_space<vmem>>) semaphore(%run_scoped3A : memref<!tpu.dma_semaphore, #tpu.memory_space<semaphore_mem>>) {add = true}
        %dma_wait3A = arith.constant 0 : i32
        %dma_wait3A_188 = tpu.memref_slice %arg12[%scan3A_26, %dma_wait3A] : memref<80x128xf32, #tpu.memory_space<vmem>> -> memref<1x128xf32, #tpu.memory_space<vmem>>
        %dma_wait3A_189 = tpu.memref_squeeze %dma_wait3A_188 : memref<1x128xf32, #tpu.memory_space<vmem>> -> memref<128xf32, #tpu.memory_space<vmem>>
        %dma_wait3A_190 = arith.constant 0 : i32
        %dma_wait3A_191 = tpu.memref_slice %arg11[%scan3A_26, %dma_wait3A_190] : memref<80x128xi32, #tpu.memory_space<vmem>> -> memref<1x128xi32, #tpu.memory_space<vmem>>
        %dma_wait3A_192 = tpu.memref_squeeze %dma_wait3A_191 : memref<1x128xi32, #tpu.memory_space<vmem>> -> memref<128xi32, #tpu.memory_space<vmem>>
        %dma_wait3A_193 = arith.constant 0 : i32
        %dma_wait3A_194 = tpu.memref_slice %arg14[%dma_wait3A_193] : memref<10240xf32, #tpu.memory_space<vmem_shared>> -> memref<10240xf32, #tpu.memory_space<vmem_shared>>
        tpu.wait_indirect_dma semaphore(%run_scoped3A : memref<!tpu.dma_semaphore, #tpu.memory_space<semaphore_mem>>) src(%dma_wait3A_189 : memref<128xf32, #tpu.memory_space<vmem>>) dst(%dma_wait3A_194 : memref<10240xf32, #tpu.memory_space<vmem_shared>>)
        tpu.yield
      }) : () -> ()
    }
    %scan3A_18 = arith.constant 80 : i32
    %mul3A_19 = arith.constant 80 : i32
    %mul3A_20 = arith.muli %add3A, %mul3A_19 : i32
    "tpu.region"() ({
      %run_scoped3A = tpu.sem_alloc : memref<!tpu.dma_semaphore, #tpu.memory_space<semaphore_mem>>
      %dma_start3A = arith.constant 0 : i32
      %dma_start3A_26 = tpu.memref_slice %arg6[%mul3A_20, %dma_start3A] : memref<2560x128xf32, #tpu.memory_space<hbm>> -> memref<80x128xf32, #tpu.memory_space<hbm>>
      %dma_start3A_27 = arith.constant 0 : i32
      %dma_start3A_28 = tpu.memref_slice %arg6[%mul3A_20, %dma_start3A_27] : memref<2560x128xf32, #tpu.memory_space<hbm>> -> memref<80x128xf32, #tpu.memory_space<hbm>>
      tpu.enqueue_dma source(%arg12 : memref<80x128xf32, #tpu.memory_space<vmem>>) target(%dma_start3A_28 : memref<80x128xf32, #tpu.memory_space<hbm>>) target_semaphore(%run_scoped3A : memref<!tpu.dma_semaphore, #tpu.memory_space<semaphore_mem>>)
      %dma_wait3A = arith.constant 0 : i32
      %dma_wait3A_29 = tpu.memref_slice %arg6[%mul3A_20, %dma_wait3A] : memref<2560x128xf32, #tpu.memory_space<hbm>> -> memref<80x128xf32, #tpu.memory_space<hbm>>
      %dma_wait3A_30 = arith.constant 0 : i32
      %dma_wait3A_31 = tpu.memref_slice %arg6[%mul3A_20, %dma_wait3A_30] : memref<2560x128xf32, #tpu.memory_space<hbm>> -> memref<80x128xf32, #tpu.memory_space<hbm>>
      tpu.wait_dma2 semaphore(%run_scoped3A : memref<!tpu.dma_semaphore, #tpu.memory_space<semaphore_mem>>) src(%arg12 : memref<80x128xf32, #tpu.memory_space<vmem>>) dst(%dma_wait3A_31 : memref<80x128xf32, #tpu.memory_space<hbm>>)
      tpu.yield
    }) : () -> ()
    %barrier3A_21 = arith.constant 0 : index
    tpu.barrier barrier_id(%barrier3A_21)
    %mul3A_22 = arith.constant 640 : i32
    %mul3A_23 = arith.muli %arg1, %mul3A_22 : i32
    "tpu.region"() ({
      %run_scoped3A = tpu.sem_alloc : memref<!tpu.dma_semaphore, #tpu.memory_space<semaphore_mem>>
      %dma_start3A = tpu.memref_slice %arg14[%mul3A_23] : memref<10240xf32, #tpu.memory_space<vmem_shared>> -> memref<640xf32, #tpu.memory_space<vmem_shared>>
      %dma_start3A_26 = tpu.memref_slice %arg14[%mul3A_23] : memref<10240xf32, #tpu.memory_space<vmem_shared>> -> memref<640xf32, #tpu.memory_space<vmem_shared>>
      tpu.enqueue_dma source(%dma_start3A_26 : memref<640xf32, #tpu.memory_space<vmem_shared>>) target(%arg13 : memref<640xf32, #tpu.memory_space<vmem>>) target_semaphore(%run_scoped3A : memref<!tpu.dma_semaphore, #tpu.memory_space<semaphore_mem>>)
      %dma_wait3A = tpu.memref_slice %arg14[%mul3A_23] : memref<10240xf32, #tpu.memory_space<vmem_shared>> -> memref<640xf32, #tpu.memory_space<vmem_shared>>
      %dma_wait3A_27 = tpu.memref_slice %arg14[%mul3A_23] : memref<10240xf32, #tpu.memory_space<vmem_shared>> -> memref<640xf32, #tpu.memory_space<vmem_shared>>
      tpu.wait_dma2 semaphore(%run_scoped3A : memref<!tpu.dma_semaphore, #tpu.memory_space<semaphore_mem>>) src(%dma_wait3A_27 : memref<640xf32, #tpu.memory_space<vmem_shared>>) dst(%arg13 : memref<640xf32, #tpu.memory_space<vmem>>)
      tpu.yield
    }) : () -> ()
    %mul3A_24 = arith.constant 640 : i32
    %mul3A_25 = arith.muli %arg1, %mul3A_24 : i32
    "tpu.region"() ({
      %run_scoped3A = tpu.sem_alloc : memref<!tpu.dma_semaphore, #tpu.memory_space<semaphore_mem>>
      %dma_start3A = tpu.memref_slice %arg7[%arg0, %mul3A_25] : memref<2x10240xf32, #tpu.memory_space<hbm>> -> memref<1x640xf32, #tpu.memory_space<hbm>>
      %dma_start3A_26 = tpu.memref_squeeze %dma_start3A : memref<1x640xf32, #tpu.memory_space<hbm>> -> memref<640xf32, #tpu.memory_space<hbm>>
      %dma_start3A_27 = tpu.memref_slice %arg7[%arg0, %mul3A_25] : memref<2x10240xf32, #tpu.memory_space<hbm>> -> memref<1x640xf32, #tpu.memory_space<hbm>>
      %dma_start3A_28 = tpu.memref_squeeze %dma_start3A_27 : memref<1x640xf32, #tpu.memory_space<hbm>> -> memref<640xf32, #tpu.memory_space<hbm>>
      tpu.enqueue_dma source(%arg13 : memref<640xf32, #tpu.memory_space<vmem>>) target(%dma_start3A_28 : memref<640xf32, #tpu.memory_space<hbm>>) target_semaphore(%run_scoped3A : memref<!tpu.dma_semaphore, #tpu.memory_space<semaphore_mem>>)
      %dma_wait3A = tpu.memref_slice %arg7[%arg0, %mul3A_25] : memref<2x10240xf32, #tpu.memory_space<hbm>> -> memref<1x640xf32, #tpu.memory_space<hbm>>
      %dma_wait3A_29 = tpu.memref_squeeze %dma_wait3A : memref<1x640xf32, #tpu.memory_space<hbm>> -> memref<640xf32, #tpu.memory_space<hbm>>
      %dma_wait3A_30 = tpu.memref_slice %arg7[%arg0, %mul3A_25] : memref<2x10240xf32, #tpu.memory_space<hbm>> -> memref<1x640xf32, #tpu.memory_space<hbm>>
      %dma_wait3A_31 = tpu.memref_squeeze %dma_wait3A_30 : memref<1x640xf32, #tpu.memory_space<hbm>> -> memref<640xf32, #tpu.memory_space<hbm>>
      tpu.wait_dma2 semaphore(%run_scoped3A : memref<!tpu.dma_semaphore, #tpu.memory_space<semaphore_mem>>) src(%arg13 : memref<640xf32, #tpu.memory_space<vmem>>) dst(%dma_wait3A_31 : memref<640xf32, #tpu.memory_space<hbm>>)
      tpu.yield
    }) : () -> ()
    return
  }
}

module attributes {stable_mosaic.version = 14 : i64} {
  func.func @_tc_project_body(%arg0: i32, %arg1: memref<1024x128xf32, #tpu.memory_space<vmem>>, %arg2: memref<128x128xf32, #tpu.memory_space<vmem>>, %arg3: memref<128x2xf32, #tpu.memory_space<vmem>>, %arg4: memref<2x1024x64xf32, #tpu.memory_space<vmem>>, %arg5: memref<1024x2xf32, #tpu.memory_space<vmem>>) attributes {dimension_semantics = [#tpu.dimension_semantics<arbitrary>], iteration_bounds = array<i64: 10>, scalar_prefetch = 0 : i64, scratch_operands = 0 : i64, tpu.core_type = #tpu.core_type<tc>, window_params = [{transform_indices = @transform_0, window_bounds = array<i64: 1024, 128>}, {pipeline_mode = #tpu.pipeline_mode<synchronous>, transform_indices = @transform_1, window_bounds = array<i64: 128, 128>}, {pipeline_mode = #tpu.pipeline_mode<synchronous>, transform_indices = @transform_2, window_bounds = array<i64: 128, 2>}, {transform_indices = @transform_3, window_bounds = array<i64: 2, 1024, 64>}, {transform_indices = @transform_4, window_bounds = array<i64: 1024, 2>}]} {
    %get3A = arith.constant 0 : index
    %get3A_0 = arith.constant 0 : index
    %get3A_1 = vector.load %arg1[%get3A, %get3A_0] : memref<1024x128xf32, #tpu.memory_space<vmem>>, vector<1024x128xf32>
    %get3A_2 = arith.constant 0 : index
    %get3A_3 = arith.constant 0 : index
    %get3A_4 = vector.load %arg2[%get3A_2, %get3A_3] : memref<128x128xf32, #tpu.memory_space<vmem>>, vector<128x128xf32>
    %dot_general3A = arith.constant dense<0.000000e+00> : vector<1024x128xf32>
    %dot_general3A_5 = tpu.matmul %get3A_1, %get3A_4, %dot_general3A {dimension_numbers = #tpu.dot_dimension_numbers<[1], [0], [0], [1], [0, 0, 1, 1], [], []>, transpose_lhs_hint = false} : vector<1024x128xf32>, vector<128x128xf32>, vector<1024x128xf32> -> vector<1024x128xf32>
    %slice3A = vector.extract_strided_slice %dot_general3A_5 {offsets = [0, 0], sizes = [1024, 64], strides = [1, 1]} : vector<1024x128xf32> to vector<1024x64xf32>
    %swap3A = arith.constant 0 : index
    %swap3A_6 = arith.constant 0 : index
    %swap3A_7 = arith.constant 0 : index
    %swap3A_8 = vector.load %arg4[%swap3A, %swap3A_6, %swap3A_7] : memref<2x1024x64xf32, #tpu.memory_space<vmem>>, vector<1x1024x64xf32>
    %swap3A_9 = vector.shape_cast %swap3A_8 : vector<1x1024x64xf32> to vector<1024x64xf32>
    %swap3A_10 = vector.shape_cast %slice3A : vector<1024x64xf32> to vector<1x1024x64xf32>
    tpu.vector_store %arg4[%swap3A, %swap3A_6, %swap3A_7], %swap3A_10 {strides = array<i32>} : memref<2x1024x64xf32, #tpu.memory_space<vmem>>, vector<1x1024x64xf32>,
    %slice3A_11 = vector.extract_strided_slice %dot_general3A_5 {offsets = [0, 64], sizes = [1024, 64], strides = [1, 1]} : vector<1024x128xf32> to vector<1024x64xf32>
    %swap3A_12 = arith.constant 1 : index
    %swap3A_13 = arith.constant 0 : index
    %swap3A_14 = arith.constant 0 : index
    %swap3A_15 = vector.load %arg4[%swap3A_12, %swap3A_13, %swap3A_14] : memref<2x1024x64xf32, #tpu.memory_space<vmem>>, vector<1x1024x64xf32>
    %swap3A_16 = vector.shape_cast %swap3A_15 : vector<1x1024x64xf32> to vector<1024x64xf32>
    %swap3A_17 = vector.shape_cast %slice3A_11 : vector<1024x64xf32> to vector<1x1024x64xf32>
    tpu.vector_store %arg4[%swap3A_12, %swap3A_13, %swap3A_14], %swap3A_17 {strides = array<i32>} : memref<2x1024x64xf32, #tpu.memory_space<vmem>>, vector<1x1024x64xf32>,
    %get3A_18 = arith.constant 0 : index
    %get3A_19 = arith.constant 0 : index
    %get3A_20 = vector.load %arg3[%get3A_18, %get3A_19] : memref<128x2xf32, #tpu.memory_space<vmem>>, vector<128x2xf32>
    %dot_general3A_21 = arith.constant dense<0.000000e+00> : vector<1024x2xf32>
    %dot_general3A_22 = tpu.matmul %dot_general3A_5, %get3A_20, %dot_general3A_21 {dimension_numbers = #tpu.dot_dimension_numbers<[1], [0], [0], [1], [0, 0, 1, 1], [], []>, transpose_lhs_hint = false} : vector<1024x128xf32>, vector<128x2xf32>, vector<1024x2xf32> -> vector<1024x2xf32>
    %swap3A_23 = arith.constant 0 : index
    %swap3A_24 = arith.constant 0 : index
    %swap3A_25 = vector.load %arg5[%swap3A_23, %swap3A_24] : memref<1024x2xf32, #tpu.memory_space<vmem>>, vector<1024x2xf32>
    tpu.vector_store %arg5[%swap3A_23, %swap3A_24], %dot_general3A_22 {strides = array<i32>} : memref<1024x2xf32, #tpu.memory_space<vmem>>, vector<1024x2xf32>,
    return
  }
  func.func @transform_0(%arg0: i32) -> (i32, i32) {
    %c0_i32 = arith.constant 0 : i32
    %c0_i32_0 = arith.constant 0 : i32
    return %arg0, %c0_i32 : i32, i32
  }
  func.func @transform_1(%arg0: i32) -> (i32, i32) {
    %c0_i32 = arith.constant 0 : i32
    %c0_i32_0 = arith.constant 0 : i32
    %c0_i32_1 = arith.constant 0 : i32
    return %c0_i32, %c0_i32_0 : i32, i32
  }
  func.func @transform_2(%arg0: i32) -> (i32, i32) {
    %c0_i32 = arith.constant 0 : i32
    %c0_i32_0 = arith.constant 0 : i32
    %c0_i32_1 = arith.constant 0 : i32
    return %c0_i32, %c0_i32_0 : i32, i32
  }
  func.func @transform_3(%arg0: i32) -> (i32, i32, i32) {
    %c0_i32 = arith.constant 0 : i32
    %c0_i32_0 = arith.constant 0 : i32
    %c0_i32_1 = arith.constant 0 : i32
    return %c0_i32, %arg0, %c0_i32_0 : i32, i32, i32
  }
  func.func @transform_4(%arg0: i32) -> (i32, i32) {
    %c0_i32 = arith.constant 0 : i32
    %c0_i32_0 = arith.constant 0 : i32
    return %arg0, %c0_i32 : i32, i32
  }
}

module attributes {stable_mosaic.version = 14 : i64} {
  func.func @_tc_finish_body(%arg0: i32, %arg1: memref<2x1000x64xf32, #tpu.memory_space<vmem>>, %arg2: memref<1x128xf32, #tpu.memory_space<vmem>>, %arg3: memref<1000x128xf32, #tpu.memory_space<vmem>>) attributes {dimension_semantics = [#tpu.dimension_semantics<arbitrary>], iteration_bounds = array<i64: 10>, scalar_prefetch = 0 : i64, scratch_operands = 0 : i64, tpu.core_type = #tpu.core_type<tc>, window_params = [{transform_indices = @transform_0, window_bounds = array<i64: 2, 1000, 64>}, {pipeline_mode = #tpu.pipeline_mode<synchronous>, transform_indices = @transform_1, window_bounds = array<i64: 1, 128>}, {transform_indices = @transform_2, window_bounds = array<i64: 1000, 128>}]} {
    %get3A = arith.constant 0 : index
    %get3A_0 = arith.constant 0 : index
    %get3A_1 = arith.constant 0 : index
    %get3A_2 = vector.load %arg1[%get3A, %get3A_0, %get3A_1] : memref<2x1000x64xf32, #tpu.memory_space<vmem>>, vector<1x1000x64xf32>
    %get3A_3 = vector.shape_cast %get3A_2 : vector<1x1000x64xf32> to vector<1000x64xf32>
    %get3A_4 = arith.constant 0 : index
    %get3A_5 = arith.constant 0 : index
    %get3A_6 = vector.load %arg2[%get3A_4, %get3A_5] : memref<1x128xf32, #tpu.memory_space<vmem>>, vector<1x64xf32>
    %add3A = vector.broadcast %get3A_6 : vector<1x64xf32> to vector<1000x64xf32>
    %add3A_7 = arith.addf %get3A_3, %add3A : vector<1000x64xf32>
    %get3A_8 = arith.constant 1 : index
    %get3A_9 = arith.constant 0 : index
    %get3A_10 = arith.constant 0 : index
    %get3A_11 = vector.load %arg1[%get3A_8, %get3A_9, %get3A_10] : memref<2x1000x64xf32, #tpu.memory_space<vmem>>, vector<1x1000x64xf32>
    %get3A_12 = vector.shape_cast %get3A_11 : vector<1x1000x64xf32> to vector<1000x64xf32>
    %get3A_13 = arith.constant 0 : index
    %get3A_14 = arith.constant 64 : index
    %get3A_15 = vector.load %arg2[%get3A_13, %get3A_14] : memref<1x128xf32, #tpu.memory_space<vmem>>, vector<1x64xf32>
    %add3A_16 = vector.broadcast %get3A_15 : vector<1x64xf32> to vector<1000x64xf32>
    %add3A_17 = arith.addf %get3A_12, %add3A_16 : vector<1000x64xf32>
    %gt3A = arith.constant 0.000000e+00 : f32
    %gt3A_18 = vector.broadcast %gt3A : f32 to vector<1000x64xf32>
    %gt3A_19 = arith.cmpf ogt, %add3A_7, %gt3A_18 : vector<1000x64xf32>
    %exp3A = math.exp %add3A_7 : vector<1000x64xf32>
    %sub3A = arith.constant 1.000000e+00 : f32
    %sub3A_20 = vector.broadcast %sub3A : f32 to vector<1000x64xf32>
    %sub3A_21 = arith.subf %exp3A, %sub3A_20 : vector<1000x64xf32>
    %select_n3A = arith.select %gt3A_19, %add3A_7, %sub3A_21 : vector<1000x64xi1>, vector<1000x64xf32>
    %swap3A = arith.constant 0 : index
    %swap3A_22 = arith.constant 0 : index
    %swap3A_23 = vector.load %arg3[%swap3A, %swap3A_22] : memref<1000x128xf32, #tpu.memory_space<vmem>>, vector<1000x64xf32>
    tpu.vector_store %arg3[%swap3A, %swap3A_22], %select_n3A {strides = array<i32>} : memref<1000x128xf32, #tpu.memory_space<vmem>>, vector<1000x64xf32>,
    %gt3A_24 = arith.constant 0.000000e+00 : f32
    %gt3A_25 = vector.broadcast %gt3A_24 : f32 to vector<1000x64xf32>
    %gt3A_26 = arith.cmpf ogt, %add3A_17, %gt3A_25 : vector<1000x64xf32>
    %exp3A_27 = math.exp %add3A_17 : vector<1000x64xf32>
    %sub3A_28 = arith.constant 1.000000e+00 : f32
    %sub3A_29 = vector.broadcast %sub3A_28 : f32 to vector<1000x64xf32>
    %sub3A_30 = arith.subf %exp3A_27, %sub3A_29 : vector<1000x64xf32>
    %select_n3A_31 = arith.select %gt3A_26, %add3A_17, %sub3A_30 : vector<1000x64xi1>, vector<1000x64xf32>
    %swap3A_32 = arith.constant 0 : index
    %swap3A_33 = arith.constant 64 : index
    %swap3A_34 = vector.load %arg3[%swap3A_32, %swap3A_33] : memref<1000x128xf32, #tpu.memory_space<vmem>>, vector<1000x64xf32>
    tpu.vector_store %arg3[%swap3A_32, %swap3A_33], %select_n3A_31 {strides = array<i32>} : memref<1000x128xf32, #tpu.memory_space<vmem>>, vector<1000x64xf32>,
    return
  }
  func.func @transform_0(%arg0: i32) -> (i32, i32, i32) {
    %c0_i32 = arith.constant 0 : i32
    %c0_i32_0 = arith.constant 0 : i32
    %c0_i32_1 = arith.constant 0 : i32
    return %c0_i32, %arg0, %c0_i32_0 : i32, i32, i32
  }
  func.func @transform_1(%arg0: i32) -> (i32, i32) {
    %c0_i32 = arith.constant 0 : i32
    %c0_i32_0 = arith.constant 0 : i32
    %c0_i32_1 = arith.constant 0 : i32
    return %c0_i32, %c0_i32_0 : i32, i32
  }
  func.func @transform_2(%arg0: i32) -> (i32, i32) {
    %c0_i32 = arith.constant 0 : i32
    %c0_i32_0 = arith.constant 0 : i32
    return %arg0, %c0_i32 : i32, i32
  }
}

</mosaic_0001>

<sc_bundles>
// kernel: kernel.6.cloned.1.call-start
scs
__scs_entry_jumppad:
0x0: {  	(pc) =	sbr.rel $0x88, $3  }
0x1: {  	(tag) =	ssettag $0x0;
	lr =	simm.s32 $0x1  }
0x2: {  	[smem:$0x3F9B] =	sst lr;
	_ =	strace $0xD0000000  }
0x3: {  	_ = 	snop  }
0x4: {  	_ = 	snop  }
0x5: {  	_ = 	snop  }
0x6: {  	_ = 	snop  }
0x7: {  	_ = 	snop  }
__scs_overlays_trampoline_lowered:
0x8: {  	[smem:$0x3FAA] =	sst s0  }
0x9: {  	[smem:$0x3FAB] =	sst s1  }
0xa: {  	[smem:$0x3FAC] =	sst s2  }
0xb: {  	[smem:$0x3FAD] =	sst s3  }
0xc: {  	[smem:$0x3FAE] =	sst s4  }
0xd: {  	[smem:$0x3FAF] =	sst s5  }
0xe: {  	[smem:$0x3FB0] =	sst s6  }
0xf: {  	[smem:$0x3FB1] =	sst s7  }
0x10: {  	[smem:$0x3FB2] =	sst s8  }
0x11: {  	[smem:$0x3FB3] =	sst s9;
	s0 =	simm.s32 @!p0 $0x0  }
0x12: {  	s1 =	sld [smem:$0x3F99];
	s0 =	simm.s32 @p0 $0x1  }
0x13: {  	[smem:$0x3FB4] =	sst s0;
	s0 =	simm.s32 @!p1 $0x0  }
0x14: {  	s2 =	sld [smem:$0x3F98];
	s0 =	simm.s32 @p1 $0x1  }
0x15: {  	[smem:$0x3FB5] =	sst s0;
	s0 =	simm.s32 @!p2 $0x0  }
0x16: {  	s3 =	sld [smem:$0x3FDB];
	s0 =	simm.s32 @p2 $0x1  }
0x17: {  	s4 =	simm.s32 $0x1BF5;
	[smem:$0x3FB7] =	sst s0  }
0x18: {  	s0 =	sld [smem:$0x3F9A];
	_ =	swait.ge [sflag:s4], $0x0  }
0x19: {  	s7 =	sld [smem:$0x3F9B]  }
0x1a: {  	s8 =	sadd.s32 $0xFFFFE003, lr  }
0x1b: {  	s9 =	sadd.s32 $0xFFFFFEF7, lr;
	s5 =	simm.s32 $0xFFFFFFFF;
	p2 =	slt.u32 s8, $0xFFFFF086  }
0x1c: {  	p1 =	slt.u32 s9, $0xF7A;
	s5 =	simm.s32 @!p2 $0x0  }
0x1d: {  	s5 =	simm.s32 @p1 $0x1;
	p0 =	seq.s32 s7, s2  }
0x1e: {  	s7 =	smul.u32 @!p0 $0xF7A, s2;
	p2 =	seq.s32 @!p0 s5, $0x0  }
0x1f: {  	s9 =	smul.u32 $0xF7A, s1;
	s8 =	simm.s32 @!p0 $0x1BF5;
	p2 =	por !p2, p0  }
0x20: {  	[sflag:s8] =	ssyncset.s32 @!p0 $0xFFFFF086;
	s6 =	sadd.s32 @!p0 s3, s7;
	s7 =	simm.s32 @!p0 $0x108  }
0x21: {  	s3 =	sadd.s32 s3, s9;
	s6 =	sadd.s32 @!p0 $0x88, s6;
	s7 =	simm.s32 @p2 $0x1082  }
0x22: {  	[simem:s7], [sflag:s8] =	dma.local @!p0 [hbm:s6], $0xF7A  }
0x23: {  	s9 =	sor.u32 $0xD0000000, s2;
	s6 =	simm.s32 $0x108;
	_ =	swait.ge @!p0 [sflag:s8], $0x0  }
0x24: {  	s3 =	sadd.s32 $0x88, s3;
	s6 =	simm.s32 @!p1 $0x1082;
	[sflag:s4] =	ssyncset.s32 $0xFFFFF086  }
0x25: {  	[simem:s6], [sflag:s4] =	dma.local [hbm:s3], $0xF7A  }
0x26: {  	[smem:$0x3F9B] =	sst s1;
	(tag) =	ssettag s2;
	_ =	strace s9  }
0x27: {  	s1 =	sld [smem:$0x3FAB]  }
0x28: {  	s2 =	sld [smem:$0x3FAC]  }
0x29: {  	s4 =	sld [smem:$0x3FAE]  }
0x2a: {  	p0 =	seq.s32 s5, $0x0;
	s5 =	sld [smem:$0x3FAF]  }
0x2b: {  	s6 =	sld [smem:$0x3FB0]  }
0x2c: {  	s7 =	sld [smem:$0x3FB1]  }
0x2d: {  	s3 =	simm.s32 $0x108;
	s8 =	sld [smem:$0x3FB2]  }
0x2e: {  	s3 =	simm.s32 @!p0 $0x1082;
	s9 =	sld [smem:$0x3FB3]  }
0x2f: {  	lr =	sadd.s32 s0, s3;
	s0 =	sld [smem:$0x3FAA]  }
0x30: {  	s3 =	sld [smem:$0x3FAD]  }
0x31: {  	[smem:$0x3FB6] =	sst s10  }
0x32: {  	s10 =	sld [smem:$0x3FB4];
	_ =	sdelay $0x3  }
0x33: {  	p0 =	seq.s32 s10, $0x1;
	s10 =	sld [smem:$0x3FB6];
	_ =	sdelay $0x3  }
0x34: {  	[smem:$0x3FB6] =	sst s10  }
0x35: {  	s10 =	sld [smem:$0x3FB5];
	_ =	sdelay $0x3  }
0x36: {  	p1 =	seq.s32 s10, $0x1;
	s10 =	sld [smem:$0x3FB6];
	_ =	sdelay $0x3  }
0x37: {  	[smem:$0x3FB6] =	sst s10  }
0x38: {  	s10 =	sld [smem:$0x3FB7]  }
0x39: {  	_ = 	snop;
	(pc) =	sbr.ind lr, $3  }
0x3a: {  	_ = 	snop  }
0x3b: {  	_ = 	snop  }
0x3c: {  	p2 =	seq.s32 s10, $0x1;
	s10 =	sld [smem:$0x3FB6]  }
0x3d: {  	_ =	shalt  }
0x3e: {  	_ =	shalt  }
0x3f: {  	_ =	shalt  }
0x40: {  	_ =	shalt  }
0x41: {  	_ =	shalt  }
0x42: {  	_ =	shalt  }
0x43: {  	_ =	shalt  }
0x44: {  	_ =	shalt  }
0x45: {  	_ =	shalt  }
0x46: {  	_ =	shalt  }
0x47: {  	_ =	shalt  }
0x48: {  	_ =	shalt  }
0x49: {  	_ =	shalt  }
0x4a: {  	_ =	shalt  }
0x4b: {  	_ =	shalt  }
0x4c: {  	_ =	shalt  }
0x4d: {  	_ =	shalt  }
0x4e: {  	_ =	shalt  }
0x4f: {  	_ =	shalt  }
0x50: {  	_ =	shalt  }
0x51: {  	_ =	shalt  }
0x52: {  	_ =	shalt  }
0x53: {  	_ =	shalt  }
0x54: {  	_ =	shalt  }
0x55: {  	_ =	shalt  }
0x56: {  	_ =	shalt  }
0x57: {  	_ =	shalt  }
0x58: {  	_ =	shalt  }
0x59: {  	_ =	shalt  }
0x5a: {  	_ =	shalt  }
0x5b: {  	_ =	shalt  }
0x5c: {  	_ =	shalt  }
0x5d: {  	_ =	shalt  }
0x5e: {  	_ =	shalt  }
0x5f: {  	_ =	shalt  }
0x60: {  	_ =	shalt  }
0x61: {  	_ =	shalt  }
0x62: {  	_ =	shalt  }
0x63: {  	_ =	shalt  }
0x64: {  	_ =	shalt  }
0x65: {  	_ =	shalt  }
0x66: {  	_ =	shalt  }
0x67: {  	_ =	shalt  }
0x68: {  	_ =	shalt  }
0x69: {  	_ =	shalt  }
0x6a: {  	_ =	shalt  }
0x6b: {  	_ =	shalt  }
0x6c: {  	_ =	shalt  }
0x6d: {  	_ =	shalt  }
0x6e: {  	_ =	shalt  }
0x6f: {  	_ =	shalt  }
0x70: {  	_ =	shalt  }
0x71: {  	_ =	shalt  }
0x72: {  	_ =	shalt  }
0x73: {  	_ =	shalt  }
0x74: {  	_ =	shalt  }
0x75: {  	_ =	shalt  }
0x76: {  	_ =	shalt  }
0x77: {  	_ =	shalt  }
0x78: {  	_ =	shalt  }
0x79: {  	_ =	shalt  }
0x7a: {  	_ =	shalt  }
0x7b: {  	_ =	shalt  }
0x7c: {  	_ =	shalt  }
0x7d: {  	_ =	shalt  }
0x7e: {  	_ =	shalt  }
0x7f: {  	_ =	shalt  }
0x80: {  	_ =	shalt  }
0x81: {  	_ =	shalt  }
0x82: {  	_ =	shalt  }
0x83: {  	_ =	shalt  }
0x84: {  	_ =	shalt  }
0x85: {  	_ =	shalt  }
0x86: {  	_ =	shalt  }
0x87: {  	_ =	shalt  }
.Lfunc_end0:
.L_simem_size_0:
called_computation_lowered:
.L_overlay_start_0:
0x88: {  	s2 =	sld [smem:$0x3FD9]  }
0x89: {  	s3 =	sld [smem:$0x3FFE];
	_ =	sdelay $0x1  }
0x8a: {  	s1 =	srdreg.scid  }
0x8b: {  	s0 =	sand.u32 $0x1, s1  }
0x8c: {  	s17 =	sshll.u32 s0, $0xA;
	s2 =	sadd.s32 s3, s2  }
0x8d: {  	s2 =	sadd.s32 s2, s17  }
0x8e: {  	[smem:$0x3FC2] =	sst s2  }
0x8f: {  	_ = 	snop  }
0x90: {  	s2 =	sld [smem:$0x3FD0];
	(tm) =	ssettm $0x1  }
0x91: {  	s18 =	sld [smem:$0x3FFB];
	_ =	sdelay $0x3  }
0x92: {  	_ =	strace s18  }
0x93: {  	s3 =	sld [smem:$0x3FFC];
	_ =	sdelay $0x3  }
0x94: {  	_ =	strace s3  }
0x95: {  	s3 =	sld [smem:$0x3FFD];
	_ =	sdelay $0x3  }
0x96: {  	_ =	strace s3  }
0x97: {  	_ =	strace $0x8FFFFFFF  }
0x98: {  	s19 =	sld [smem:$0x3FDB];
	_ =	sdelay $0x1  }
0x99: {  	s4 =	simm.s32 $_scs_section_size  }
0x9a: {  	s5 =	simm.s32 $_size__tile_overlayer_lowered;
	s6 =	simm.s32 $_tile_overlayer_lowered  }
0x9b: {  	s22 =	simm.s32 $0x1BFF;
	s21 =	sshll.u32 s6, $0x1;
	s3 =	sadd.s32 s4, s19  }
0x9c: {  	s7 =	simm.s32 $0x0;
	s20 =	sshll.u32 s5, $0x1;
	s5 =	sadd.s32 s21, s3  }
0x9d: {  	[timem:s7], [sflag:s22] =	dma.local [hbm:s5], s20  }
0x9e: {  	_ =	swait.ge [sflag:s22], s20  }
0x9f: {  	s4 =	ssub.s32 $0x0, s20;
	[sflag:s22] =	ssyncset.done $0x0  }
0xa0: {  	[sflag:s22] =	ssyncadd.s32 s4;
	_ =	sdelay $0x1  }
0xa1: {  	s23 =	simm.s32 $0x1B8B  }
0xa2: {  	_ =	swait.ge [sflag:s23], $0x1  }
0xa3: {  	[sflag:s23] =	ssyncset.done $0x0  }
0xa4: {  	s25 =	simm.s32 $0x1B8E;
	s24 =	sld [smem:$0x3FFE];
	[sflag:s23] =	ssyncadd.s32 $0xFFFFFFFF  }
0xa5: {  	s26 =	simm.s32 $execute0_lowered;
	[smem:$0x3FD2] =	sst s25  }
0xa6: {  	s5 =	sshll.u32 s26, $0x1;
	_ =	strace $0x80000046;
	[dreg:$0x1] =	wrdreg $0xFFFFFFFF  }
0xa7: {  	s28 =	simm.s32 $_size_execute0_lowered;
	s3 =	sadd.s32 s3, s5;
	[dreg:$0x0] =	wrdreg $0x0  }
0xa8: {  	s5 =	sshll.u32 s28, $0x1;
	[dreg:$0x2] =	wrdreg s3  }
0xa9: {  	[dreg:$0x3] =	wrdreg s5  }
0xaa: {  	[dreg:$0x4] =	wrdreg $0xC0  }
0xab: {  	_ =	task [dreg:s7], $0x5FFFF  }
0xac: {  	[dreg:$0x1] =	wrdreg $0xFFFFFFFF  }
0xad: {  	[dreg:$0x0] =	wrdreg $0x60  }
0xae: {  	[dreg:$0x2] =	wrdreg s24  }
0xaf: {  	[dreg:$0x3] =	wrdreg s2  }
0xb0: {  	[dreg:$0x4] =	wrdreg $0xCA800  }
0xb1: {  	[dreg:$0x5] =	wrdreg $0x9  }
0xb2: {  	_ =	task.clear_ibuf [dreg:s7], $0x6FFFF;
	_ =	strace $0x90000046  }
0xb3: {  	s29 =	simm.s32 $0x9;
	_ =	strace $0x80000048  }
0xb4: {  	_ =	swait.ge [sflag:s29], $0x1  }
0xb5: {  	[sflag:s29] =	ssyncadd.s32 $0xFFFFFFFF  }
0xb6: {  	_ =	strace $0x90000048  }
0xb7: {  	_ =	sfence  }
0xb8: {  	s30 =	sld [smem:$0x0];
	_ =	sdelay $0x2  }
0xb9: {  	s31 =	sshll.u32 s1, $0xD;
	s1 =	sshrl.u32 s1, $0x2  }
0xba: {  	s3 =	sand.u32 $0x4000, s31;
	s1 =	sadd.s32 s1, s30  }
0xbb: {  	s0 =	sor.u32 s3, s0;
	s1 =	sshll.u32 s1, $0x11  }
0xbc: {  	s0 =	sor.u32 s1, s0  }
0xbd: {  	s0 =	sadd.s32 $0x8F2B, s0  }
0xbe: {  	[sflag:s0] =	ssyncadd.remote.s32 $0x1  }
0xbf: {  	_ =	sfence.sel $0xFFFF  }
0xc0: {  	[dreg:$0x0] =	wrdreg $0xFFFFFFFF;
	(pc) =	sbr.abs _section_cstart, $3  }
0xc1: {  	[dreg:$0x1] =	wrdreg $0xFFFFFFFF  }
0xc2: {  	_ =	task.clear_ibuf [dreg:s7], $0x2FFFF;
	_ =	strace $0x9FFFFFFF  }
0xc3: {  	(tm) =	ssettm $0x7FFFFFFF  }
tec
execute0_lowered:
.L_overlay_start_1:
0x0: {  	(tag) =	ssettag $0x1  }
0x1: {  	s6 =	rddreg [dreg:$0x0]  }
0x2: {  	s7 =	rddreg [dreg:$0x1]  }
0x3: {  	s2 =	rddreg [dreg:$0x2]  }
0x4: {  	s0 =	rddreg [dreg:$0x3];
	s4 =	srdreg.scid  }
0x5: {  	s1 =	stileid.u32;
	s3 =	simm.s32 $0x0;
	s14 =	simm.s32 $0x2800  }
0x6: {  	s15 =	simm.s32 $0x5000;
	s16 =	simm.s32 $0x7800;
	s17 =	simm.s32 $0x80  }
0x7: {  	s18 =	simm.s32 $0xA000;
	s19 =	simm.s32 $0x0;
	s8 =	sand.u32 $0x1, s4  }
0x8: {  	s9 =	smul.u32 $0x280, s1;
	[smem:$0x7FF] =	sst s3;
	s30 =	sshll.u32 s1, $0x1  }
0x9: {  	s4 =	sadd.s32 $0x800, s6;
	s5 =	smul.u32 $0x2800, s8;
	s10 =	sor.u32 s8, s30  }
0xa: {  	_ =	strace $0x80000047;
	s8 =	ssub.s32 $0x2, s8;
	s10 =	smul.u32 $0x500, s10  }
0xb: {  	s31 =	sshrl.u32 s8, $0x1;
	s11 =	sadd.s32 s9, s5;
	s5 =	sadd.s32 $0x200, s6  }
0xc: {  	s13 =	ssub.s32 s8, s31;
	s11 =	sshrl.u32 s11, $0x3;
	s12 =	sadd.s32 s10, s6  }
0xd: {  	s7 =	sadd.s32 s7, s10;
	s11 =	sadd.s32 s11, s6;
	s6 =	sadd.s32 s9, s2  }
0xe: {  	s8 =	sadd.s32 $0xE00, s12;
	s9 =	sadd.s32 $0xAE00, s12;
	s12 =	simm.s32 $0xC800  }
0xf: {  	v0 =	vimm.f32 $0.0e+00;
	s10 =	sadd.s32 $0x14E00, s11;
	s11 =	smax.u32 s13, $0x1;
	s13 =	simm.s32 $0x1  }
.LBB2_1:
0x10: {  	[tilespmem:$0xC800] =	vst v0  }
0x11: {  	[tilespmem:$0xC810] =	vst v0  }
0x12: {  	[tilespmem:$0xC820] =	vst v0  }
0x13: {  	[tilespmem:$0xC830] =	vst v0  }
0x14: {  	[tilespmem:$0xC840] =	vst v0  }
0x15: {  	[tilespmem:$0xC850] =	vst v0  }
0x16: {  	[tilespmem:$0xC860] =	vst v0  }
0x17: {  	[tilespmem:$0xC870] =	vst v0  }
0x18: {  	[tilespmem:$0xC880] =	vst v0  }
0x19: {  	[tilespmem:$0xC890] =	vst v0  }
0x1a: {  	[tilespmem:$0xC8A0] =	vst v0  }
0x1b: {  	[tilespmem:$0xC8B0] =	vst v0  }
0x1c: {  	[tilespmem:$0xC8C0] =	vst v0  }
0x1d: {  	[tilespmem:$0xC8D0] =	vst v0  }
0x1e: {  	[tilespmem:$0xC8E0] =	vst v0  }
0x1f: {  	[tilespmem:$0xC8F0] =	vst v0  }
0x20: {  	[tilespmem:$0xC900] =	vst v0  }
0x21: {  	[tilespmem:$0xC910] =	vst v0  }
0x22: {  	[tilespmem:$0xC920] =	vst v0  }
0x23: {  	[tilespmem:$0xC930] =	vst v0  }
0x24: {  	[tilespmem:$0xC940] =	vst v0  }
0x25: {  	[tilespmem:$0xC950] =	vst v0  }
0x26: {  	[tilespmem:$0xC960] =	vst v0  }
0x27: {  	[tilespmem:$0xC970] =	vst v0  }
0x28: {  	[tilespmem:$0xC980] =	vst v0  }
0x29: {  	[tilespmem:$0xC990] =	vst v0  }
0x2a: {  	[tilespmem:$0xC9A0] =	vst v0  }
0x2b: {  	[tilespmem:$0xC9B0] =	vst v0  }
0x2c: {  	[tilespmem:$0xC9C0] =	vst v0  }
0x2d: {  	[tilespmem:$0xC9D0] =	vst v0  }
0x2e: {  	[tilespmem:$0xC9E0] =	vst v0  }
0x2f: {  	[tilespmem:$0xC9F0] =	vst v0  }
0x30: {  	[tilespmem:$0xCA00] =	vst v0  }
0x31: {  	[tilespmem:$0xCA10] =	vst v0  }
0x32: {  	[tilespmem:$0xCA20] =	vst v0  }
0x33: {  	[tilespmem:$0xCA30] =	vst v0  }
0x34: {  	[tilespmem:$0xCA40] =	vst v0  }
0x35: {  	[tilespmem:$0xCA50] =	vst v0  }
0x36: {  	[tilespmem:$0xCA60] =	vst v0  }
0x37: {  	[tilespmem:$0xCA70] =	vst v0  }
0x38: {  	[spmem:s6] =	stream.linear.scatter [tilespmem:s12], [sflag:$0x1], $0x280, $0x38;
	[tilespmem:$0xCD00] =	vst v63  }
0x39: {  	_ =	swait.ge [sflag:s13], $0x280  }
0x3a: {  	[sflag:s13] =	ssyncset.done $0x0  }
0x3b: {  	[sflag:s13] =	ssyncadd.s32 $0xFFFFFD80  }
0x3c: {  	[tilespmem:s3], [sflag:$0x1] =	stream.linear.gather [hbm4b:s4+s3], $0x2800, $0x38;
	[tilespmem:$0xCD00] =	vst v63  }
0x3d: {  	_ =	swait.ge [sflag:s13], $0x2800  }
0x3e: {  	[sflag:s13] =	ssyncset.done $0x0  }
0x3f: {  	[sflag:s13] =	ssyncadd.s32 $0xFFFFD800  }
0x40: {  	[tilespmem:s14], [sflag:$0x1] =	stream.linear.gather [hbm4b:s5+s3], $0x2800, $0x38;
	[tilespmem:$0xCD00] =	vst v63  }
0x41: {  	_ =	swait.ge [sflag:s13], $0x2800  }
0x42: {  	[sflag:s13] =	ssyncset.done $0x0  }
0x43: {  	[sflag:s13] =	ssyncadd.s32 $0xFFFFD800  }
0x44: {  	[tilespmem:s15], [sflag:$0x1] =	stream.linear.gather [hbm4b:s7+s3], $0x2800, $0x38;
	[tilespmem:$0xCD00] =	vst v63  }
0x45: {  	_ =	swait.ge [sflag:s13], $0x2800  }
0x46: {  	[sflag:s13] =	ssyncset.done $0x0  }
0x47: {  	[sflag:s13] =	ssyncadd.s32 $0xFFFFD800  }
0x48: {  	[tilespmem:s16], [sflag:$0x1] =	stream.linear.gather [hbm4b:s8+s3], $0x2800, $0x38;
	[tilespmem:$0xCD00] =	vst v63  }
0x49: {  	_ =	swait.ge [sflag:s13], $0x2800  }
0x4a: {  	[sflag:s13] =	ssyncset.done $0x0  }
0x4b: {  	[sflag:s13] =	ssyncadd.s32 $0xFFFFD800  }
0x4c: {  	s20 =	simm.s32 $0x0;
	[bflag:$0x0] =	sbarrier.arrive $0xFFFF  }
0x4d: {  	v1 =	vld [tilespmem:s20+$0x5000]  }
0x4e: {  	v2 =	vld [tilespmem:s20+$0x7800];
	_ =	sdelay $0x6  }
0x4f: {  	v1 =	vld.idx.msk [tilespmem:v1+s3+$0x0], $0xffff  }
0x50: {  	v2 =	vld.idx.msk [tilespmem:v2+s14+$0x0], $0xffff;
	_ =	sdelay $0x4  }
0x51: {  	v1 =	vadd.f32 v2, v1;
	_ =	sdelay $0x1  }
0x52: {  	v2 =	vmul.f32 $2.000000030e-01, v1  }
0x53: {  	vm0 =	vlt.f32 v1, $0.0e+00  }
0x54: {  	v1 =	vsel vm0, v2, v1  }
0x55: {  	v1 =	vmul.f32 $1.442695020e+00, v1;
	_ =	sdelay $0x1  }
0x56: {  	(erf) = vpow2.f32 v1;
	_ =	sdelay $0x2  }
0x57: {  	v1 =	vld [tilespmem:s20+$0x5010]  }
0x58: {  	v2 =	vld [tilespmem:s20+$0x7810];
	_ =	sdelay $0x4  }
0x59: {  	v3 =	vpop (erf)  }
0x5a: {  	[tilespmem:s20+$0xA000] =	vst v3  }
0x5b: {  	v1 =	vld.idx.msk [tilespmem:v1+s3+$0x0], $0xffff  }
0x5c: {  	v2 =	vld.idx.msk [tilespmem:v2+s14+$0x0], $0xffff;
	_ =	sdelay $0x4  }
0x5d: {  	v1 =	vadd.f32 v2, v1;
	_ =	sdelay $0x1  }
0x5e: {  	v2 =	vmul.f32 $2.000000030e-01, v1  }
0x5f: {  	vm9 =	vlt.f32 v1, $0.0e+00  }
0x60: {  	v1 =	vsel vm9, v2, v1  }
0x61: {  	v1 =	vmul.f32 $1.442695020e+00, v1;
	_ =	sdelay $0x1  }
0x62: {  	(erf) = vpow2.f32 v1;
	_ =	sdelay $0x2  }
0x63: {  	v1 =	vld [tilespmem:s20+$0x5020]  }
0x64: {  	v2 =	vld [tilespmem:s20+$0x7820];
	_ =	sdelay $0x4  }
0x65: {  	v3 =	vpop (erf)  }
0x66: {  	[tilespmem:s20+$0xA010] =	vst v3  }
0x67: {  	v1 =	vld.idx.msk [tilespmem:v1+s3+$0x0], $0xffff  }
0x68: {  	v2 =	vld.idx.msk [tilespmem:v2+s14+$0x0], $0xffff;
	_ =	sdelay $0x4  }
0x69: {  	v1 =	vadd.f32 v2, v1;
	_ =	sdelay $0x1  }
0x6a: {  	v2 =	vmul.f32 $2.000000030e-01, v1  }
0x6b: {  	vm10 =	vlt.f32 v1, $0.0e+00  }
0x6c: {  	v1 =	vsel vm10, v2, v1  }
0x6d: {  	v1 =	vmul.f32 $1.442695020e+00, v1;
	_ =	sdelay $0x1  }
0x6e: {  	(erf) = vpow2.f32 v1;
	_ =	sdelay $0x2  }
0x6f: {  	v1 =	vld [tilespmem:s20+$0x5030]  }
0x70: {  	v2 =	vld [tilespmem:s20+$0x7830];
	_ =	sdelay $0x4  }
0x71: {  	v3 =	vpop (erf)  }
0x72: {  	[tilespmem:s20+$0xA020] =	vst v3  }
0x73: {  	v1 =	vld.idx.msk [tilespmem:v1+s3+$0x0], $0xffff  }
0x74: {  	v2 =	vld.idx.msk [tilespmem:v2+s14+$0x0], $0xffff;
	_ =	sdelay $0x4  }
0x75: {  	v1 =	vadd.f32 v2, v1;
	_ =	sdelay $0x1  }
0x76: {  	v2 =	vmul.f32 $2.000000030e-01, v1  }
0x77: {  	vm11 =	vlt.f32 v1, $0.0e+00  }
0x78: {  	v1 =	vsel vm11, v2, v1  }
0x79: {  	v1 =	vmul.f32 $1.442695020e+00, v1;
	_ =	sdelay $0x1  }
0x7a: {  	(erf) = vpow2.f32 v1;
	_ =	sdelay $0x2  }
0x7b: {  	v1 =	vld [tilespmem:s20+$0x5040]  }
0x7c: {  	v2 =	vld [tilespmem:s20+$0x7840];
	_ =	sdelay $0x4  }
0x7d: {  	v3 =	vpop (erf)  }
0x7e: {  	[tilespmem:s20+$0xA030] =	vst v3  }
0x7f: {  	v1 =	vld.idx.msk [tilespmem:v1+s3+$0x0], $0xffff  }
0x80: {  	v2 =	vld.idx.msk [tilespmem:v2+s14+$0x0], $0xffff;
	_ =	sdelay $0x4  }
0x81: {  	v1 =	vadd.f32 v2, v1;
	_ =	sdelay $0x1  }
0x82: {  	v2 =	vmul.f32 $2.000000030e-01, v1  }
0x83: {  	vm12 =	vlt.f32 v1, $0.0e+00  }
0x84: {  	v1 =	vsel vm12, v2, v1  }
0x85: {  	v1 =	vmul.f32 $1.442695020e+00, v1;
	_ =	sdelay $0x1  }
0x86: {  	(erf) = vpow2.f32 v1;
	_ =	sdelay $0x2  }
0x87: {  	v1 =	vld [tilespmem:s20+$0x5050]  }
0x88: {  	v2 =	vld [tilespmem:s20+$0x7850];
	_ =	sdelay $0x4  }
0x89: {  	v3 =	vpop (erf)  }
0x8a: {  	[tilespmem:s20+$0xA040] =	vst v3  }
0x8b: {  	v1 =	vld.idx.msk [tilespmem:v1+s3+$0x0], $0xffff  }
0x8c: {  	v2 =	vld.idx.msk [tilespmem:v2+s14+$0x0], $0xffff;
	_ =	sdelay $0x4  }
0x8d: {  	v1 =	vadd.f32 v2, v1;
	_ =	sdelay $0x1  }
0x8e: {  	v2 =	vmul.f32 $2.000000030e-01, v1  }
0x8f: {  	vm13 =	vlt.f32 v1, $0.0e+00  }
0x90: {  	v1 =	vsel vm13, v2, v1  }
0x91: {  	v1 =	vmul.f32 $1.442695020e+00, v1;
	_ =	sdelay $0x1  }
0x92: {  	(erf) = vpow2.f32 v1;
	_ =	sdelay $0x2  }
0x93: {  	v1 =	vld [tilespmem:s20+$0x5060]  }
0x94: {  	v2 =	vld [tilespmem:s20+$0x7860];
	_ =	sdelay $0x4  }
0x95: {  	v3 =	vpop (erf)  }
0x96: {  	[tilespmem:s20+$0xA050] =	vst v3  }
0x97: {  	v1 =	vld.idx.msk [tilespmem:v1+s3+$0x0], $0xffff  }
0x98: {  	v2 =	vld.idx.msk [tilespmem:v2+s14+$0x0], $0xffff;
	_ =	sdelay $0x4  }
0x99: {  	v1 =	vadd.f32 v2, v1;
	_ =	sdelay $0x1  }
0x9a: {  	v2 =	vmul.f32 $2.000000030e-01, v1  }
0x9b: {  	vm14 =	vlt.f32 v1, $0.0e+00  }
0x9c: {  	v1 =	vsel vm14, v2, v1  }
0x9d: {  	v1 =	vmul.f32 $1.442695020e+00, v1;
	_ =	sdelay $0x1  }
0x9e: {  	(erf) = vpow2.f32 v1;
	_ =	sdelay $0x2  }
0x9f: {  	v1 =	vld [tilespmem:s20+$0x5070]  }
0xa0: {  	v2 =	vld [tilespmem:s20+$0x7870];
	_ =	sdelay $0x4  }
0xa1: {  	v3 =	vpop (erf)  }
0xa2: {  	[tilespmem:s20+$0xA060] =	vst v3  }
0xa3: {  	v1 =	vld.idx.msk [tilespmem:v1+s3+$0x0], $0xffff  }
0xa4: {  	v2 =	vld.idx.msk [tilespmem:v2+s14+$0x0], $0xffff;
	_ =	sdelay $0x4  }
0xa5: {  	v1 =	vadd.f32 v2, v1;
	_ =	sdelay $0x1  }
0xa6: {  	v2 =	vmul.f32 $2.000000030e-01, v1  }
0xa7: {  	vm15 =	vlt.f32 v1, $0.0e+00  }
0xa8: {  	v1 =	vsel vm15, v2, v1  }
0xa9: {  	v1 =	vmul.f32 $1.442695020e+00, v1;
	_ =	sdelay $0x1  }
0xaa: {  	(erf) = vpow2.f32 v1;
	_ =	sdelay $0x1  }
0xab: {  	s21 =	simm.s32 $0x200;
	s22 =	simm.s32 $0x7800;
	s23 =	simm.s32 $0xA000  }
.LBB2_2:
0xac: {  	_ =	sdelay $0x2  }
0xad: {  	p0 =	sne.s32 s21, $0x9E00;
	s24 =	smov.u32 s21;
	s21 =	sadd.s32 $0x200, s21  }
0xae: {  	_ =	sdelay $0x1  }
0xaf: {  	v1 =	vpop (erf)  }
0xb0: {  	[tilespmem:s20+$0xA070] =	vst v1  }
0xb1: {  	[spmem:s2] =	stream.indirect.scatter.add.f32 [tilespmem:s23], [sflag:$0x1], $0x1, s22, s17, $0xb8;
	[tilespmem:$0xCD00] =	vst v63  }
0xb2: {  	_ =	swait.ge [sflag:s13], $0x80  }
0xb3: {  	[sflag:s13] =	ssyncset.done $0x0  }
0xb4: {  	s20 =	sshra.s32 s24, $0x2;
	[sflag:s13] =	ssyncadd.s32 $0xFFFFFF80  }
0xb5: {  	v1 =	vld [tilespmem:s20+$0x5000]  }
0xb6: {  	v2 =	vld [tilespmem:s20+$0x7800];
	_ =	sdelay $0x6  }
0xb7: {  	v1 =	vld.idx.msk [tilespmem:v1+s3+$0x0], $0xffff  }
0xb8: {  	v2 =	vld.idx.msk [tilespmem:v2+s14+$0x0], $0xffff;
	_ =	sdelay $0x5  }
0xb9: {  	v1 =	vadd.f32 v2, v1;
	_ =	sdelay $0x1  }
0xba: {  	vm0 =	vlt.f32 v1, $0.0e+00;
	v2 =	vmul.f32 $2.000000030e-01, v1;
	_ =	sdelay $0x1  }
0xbb: {  	v1 =	vsel vm0, v2, v1  }
0xbc: {  	v1 =	vmul.f32 $1.442695020e+00, v1;
	_ =	sdelay $0x1  }
0xbd: {  	(erf) = vpow2.f32 v1;
	_ =	sdelay $0x1  }
0xbe: {  	v1 =	vld [tilespmem:s20+$0x7810]  }
0xbf: {  	v2 =	vld [tilespmem:s20+$0x5010];
	_ =	sdelay $0x5  }
0xc0: {  	v3 =	vpop (erf)  }
0xc1: {  	[tilespmem:s20+$0xA000] =	vst v3  }
0xc2: {  	v2 =	vld.idx.msk [tilespmem:v2+s3+$0x0], $0xffff  }
0xc3: {  	v1 =	vld.idx.msk [tilespmem:v1+s14+$0x0], $0xffff;
	_ =	sdelay $0x5  }
0xc4: {  	v1 =	vadd.f32 v1, v2;
	_ =	sdelay $0x1  }
0xc5: {  	vm0 =	vlt.f32 v1, $0.0e+00;
	v2 =	vmul.f32 $2.000000030e-01, v1;
	_ =	sdelay $0x1  }
0xc6: {  	v1 =	vsel vm0, v2, v1  }
0xc7: {  	v1 =	vmul.f32 $1.442695020e+00, v1;
	_ =	sdelay $0x1  }
0xc8: {  	(erf) = vpow2.f32 v1;
	_ =	sdelay $0x1  }
0xc9: {  	v1 =	vld [tilespmem:s20+$0x7820]  }
0xca: {  	v2 =	vld [tilespmem:s20+$0x5020];
	_ =	sdelay $0x5  }
0xcb: {  	v3 =	vpop (erf)  }
0xcc: {  	[tilespmem:s20+$0xA010] =	vst v3  }
0xcd: {  	v2 =	vld.idx.msk [tilespmem:v2+s3+$0x0], $0xffff  }
0xce: {  	v1 =	vld.idx.msk [tilespmem:v1+s14+$0x0], $0xffff;
	_ =	sdelay $0x5  }
0xcf: {  	v1 =	vadd.f32 v1, v2;
	_ =	sdelay $0x1  }
0xd0: {  	vm0 =	vlt.f32 v1, $0.0e+00;
	v2 =	vmul.f32 $2.000000030e-01, v1;
	_ =	sdelay $0x1  }
0xd1: {  	v1 =	vsel vm0, v2, v1  }
0xd2: {  	v1 =	vmul.f32 $1.442695020e+00, v1;
	_ =	sdelay $0x1  }
0xd3: {  	(erf) = vpow2.f32 v1;
	_ =	sdelay $0x1  }
0xd4: {  	v1 =	vld [tilespmem:s20+$0x7830]  }
0xd5: {  	v2 =	vld [tilespmem:s20+$0x5030];
	_ =	sdelay $0x5  }
0xd6: {  	v3 =	vpop (erf)  }
0xd7: {  	[tilespmem:s20+$0xA020] =	vst v3  }
0xd8: {  	v2 =	vld.idx.msk [tilespmem:v2+s3+$0x0], $0xffff  }
0xd9: {  	v1 =	vld.idx.msk [tilespmem:v1+s14+$0x0], $0xffff;
	_ =	sdelay $0x5  }
0xda: {  	v1 =	vadd.f32 v1, v2;
	_ =	sdelay $0x1  }
0xdb: {  	vm0 =	vlt.f32 v1, $0.0e+00;
	v2 =	vmul.f32 $2.000000030e-01, v1;
	_ =	sdelay $0x1  }
0xdc: {  	v1 =	vsel vm0, v2, v1  }
0xdd: {  	v1 =	vmul.f32 $1.442695020e+00, v1;
	_ =	sdelay $0x1  }
0xde: {  	(erf) = vpow2.f32 v1;
	_ =	sdelay $0x1  }
0xdf: {  	v1 =	vld [tilespmem:s20+$0x7840]  }
0xe0: {  	v2 =	vld [tilespmem:s20+$0x5040];
	_ =	sdelay $0x5  }
0xe1: {  	v3 =	vpop (erf)  }
0xe2: {  	[tilespmem:s20+$0xA030] =	vst v3  }
0xe3: {  	v2 =	vld.idx.msk [tilespmem:v2+s3+$0x0], $0xffff  }
0xe4: {  	v1 =	vld.idx.msk [tilespmem:v1+s14+$0x0], $0xffff;
	_ =	sdelay $0x5  }
0xe5: {  	v1 =	vadd.f32 v1, v2;
	_ =	sdelay $0x1  }
0xe6: {  	vm0 =	vlt.f32 v1, $0.0e+00;
	v2 =	vmul.f32 $2.000000030e-01, v1;
	_ =	sdelay $0x1  }
0xe7: {  	v1 =	vsel vm0, v2, v1  }
0xe8: {  	v1 =	vmul.f32 $1.442695020e+00, v1;
	_ =	sdelay $0x1  }
0xe9: {  	(erf) = vpow2.f32 v1;
	_ =	sdelay $0x1  }
0xea: {  	v1 =	vld [tilespmem:s20+$0x7850]  }
0xeb: {  	v2 =	vld [tilespmem:s20+$0x5050];
	_ =	sdelay $0x5  }
0xec: {  	v3 =	vpop (erf)  }
0xed: {  	[tilespmem:s20+$0xA040] =	vst v3  }
0xee: {  	v2 =	vld.idx.msk [tilespmem:v2+s3+$0x0], $0xffff  }
0xef: {  	v1 =	vld.idx.msk [tilespmem:v1+s14+$0x0], $0xffff;
	_ =	sdelay $0x5  }
0xf0: {  	v1 =	vadd.f32 v1, v2;
	_ =	sdelay $0x1  }
0xf1: {  	vm0 =	vlt.f32 v1, $0.0e+00;
	v2 =	vmul.f32 $2.000000030e-01, v1;
	_ =	sdelay $0x1  }
0xf2: {  	v1 =	vsel vm0, v2, v1  }
0xf3: {  	v1 =	vmul.f32 $1.442695020e+00, v1;
	_ =	sdelay $0x1  }
0xf4: {  	(erf) = vpow2.f32 v1;
	_ =	sdelay $0x1  }
0xf5: {  	v1 =	vld [tilespmem:s20+$0x7860]  }
0xf6: {  	v2 =	vld [tilespmem:s20+$0x5060];
	_ =	sdelay $0x5  }
0xf7: {  	v3 =	vpop (erf)  }
0xf8: {  	[tilespmem:s20+$0xA050] =	vst v3  }
0xf9: {  	v2 =	vld.idx.msk [tilespmem:v2+s3+$0x0], $0xffff  }
0xfa: {  	v1 =	vld.idx.msk [tilespmem:v1+s14+$0x0], $0xffff;
	_ =	sdelay $0x5  }
0xfb: {  	v1 =	vadd.f32 v1, v2;
	_ =	sdelay $0x1  }
0xfc: {  	vm0 =	vlt.f32 v1, $0.0e+00;
	v2 =	vmul.f32 $2.000000030e-01, v1;
	_ =	sdelay $0x1  }
0xfd: {  	v1 =	vsel vm0, v2, v1  }
0xfe: {  	v1 =	vmul.f32 $1.442695020e+00, v1;
	_ =	sdelay $0x1  }
0xff: {  	(erf) = vpow2.f32 v1;
	_ =	sdelay $0x1  }
0x100: {  	v1 =	vld [tilespmem:s20+$0x7870]  }
0x101: {  	v2 =	vld [tilespmem:s20+$0x5070];
	_ =	sdelay $0x5  }
0x102: {  	v3 =	vpop (erf)  }
0x103: {  	[tilespmem:s20+$0xA060] =	vst v3  }
0x104: {  	v2 =	vld.idx.msk [tilespmem:v2+s3+$0x0], $0xffff  }
0x105: {  	v1 =	vld.idx.msk [tilespmem:v1+s14+$0x0], $0xffff;
	_ =	sdelay $0x5  }
0x106: {  	v1 =	vadd.f32 v1, v2;
	_ =	sdelay $0x1  }
0x107: {  	vm0 =	vlt.f32 v1, $0.0e+00;
	v2 =	vmul.f32 $2.000000030e-01, v1;
	_ =	sdelay $0x1  }
0x108: {  	v1 =	vsel vm0, v2, v1  }
.Ltmp0:
0x109: {  	v1 =	vmul.f32 $1.442695020e+00, v1;
	(pc) =	sbr.rel @p0 .LBB2_2-.Ltmp0, $3  }
0x10a: {  	_ = 	snop  }
0x10b: {  	(erf) = vpow2.f32 v1;
	_ =	sdelay $0x1  }
0x10c: {  	s22 =	sadd.s32 $0x7800, s20;
	s23 =	sadd.s32 $0xA000, s20  }
0x10d: {  	_ =	sdelay $0x5  }
0x10e: {  	v1 =	vpop (erf)  }
0x10f: {  	[tilespmem:s20+$0xA070] =	vst v1  }
0x110: {  	[spmem:s2] =	stream.indirect.scatter.add.f32 [tilespmem:s23], [sflag:$0x1], $0x1, s22, s17, $0xb8;
	[tilespmem:$0xCD00] =	vst v63  }
0x111: {  	_ =	swait.ge [sflag:s13], $0x80  }
0x112: {  	[sflag:s13] =	ssyncset.done $0x0  }
0x113: {  	[sflag:s13] =	ssyncadd.s32 $0xFFFFFF80  }
0x114: {  	[hbm4b:s9+s3] =	stream.linear.scatter [tilespmem:s18], [sflag:$0x1], $0x2800, $0x38;
	[tilespmem:$0xCD00] =	vst v63  }
0x115: {  	_ =	swait.ge [sflag:s13], $0x2800  }
0x116: {  	[sflag:s13] =	ssyncset.done $0x0  }
0x117: {  	[sflag:s13] =	ssyncadd.s32 $0xFFFFD800  }
0x118: {  	[bflag:$0x0] =	sbarrier.arrive $0xFFFF  }
0x119: {  	[tilespmem:s12], [sflag:$0x1] =	stream.linear.gather [spmem:s6], $0x280, $0x38;
	[tilespmem:$0xCD00] =	vst v63  }
0x11a: {  	s19 =	sadd.s32 $0x1, s19;
	_ =	swait.ge [sflag:s13], $0x280  }
0x11b: {  	p0 =	sne.s32 s19, s11;
	[sflag:s13] =	ssyncset.done $0x0  }
.Ltmp1:
0x11c: {  	[sflag:s13] =	ssyncadd.s32 $0xFFFFFD80;
	(pc) =	sbr.rel @p0 .LBB2_1-.Ltmp1, $4  }
0x11d: {  	[hbm4b:s10+s3] =	stream.linear.scatter [tilespmem:s12], [sflag:$0x1], $0x280, $0x38;
	[tilespmem:$0xCD00] =	vst v63  }
0x11e: {  	_ =	swait.ge [sflag:s13], $0x280  }
0x11f: {  	[sflag:s13] =	ssyncset.done $0x0  }
0x120: {  	[sflag:s13] =	ssyncadd.s32 $0xFFFFFD80  }
0x121: {  	_ =	sfence.sel $0x180000  }
0x122: {  	[bflag:$0x0] =	sbarrier.arrive $0xFFFF  }
0x123: {  	p0 =	sne.s32 s1, $0x0;
	_ =	strace $0x90000047  }
0x124: {  	s0 =	sadd.s32 @!p0 $0x100000, s0;
	[bflag:$0x2] =	sbarrier.arrive $0xFFFF  }
0x125: {  	[sflag:s0] =	ssyncadd.tile.s32 @!p0 $0x1;
	_ =	shalt  }
.Lfunc_end2:
_tile_overlayer_lowered:
.L_overlay_start_2:
0x126: {  	(tag) =	ssettag $0x2  }
0x127: {  	s0 =	rddreg [dreg:$0x0];
	s2 =	stileid.u32  }
0x128: {  	s1 =	rddreg [dreg:$0x1];
	p0 =	sne.s32 s2, $0x0  }
0x129: {  	s3 =	rddreg [dreg:$0x2];
	[bflag:$0x3] =	sbarrier.arrive $0xFFFF;
	s2 =	simm.s32 @!p0 $0x1C01  }
0x12a: {  	[timem:s3], [sflag:s2] =	dma.local @!p0 [hbm:s0], s1  }
0x12b: {  	s0 =	simm.s32 @!p0 $0x1  }
0x12c: {  	_ =	swait.ge @!p0 [sflag:s0], s1  }
0x12d: {  	s1 =	ssub.s32 @!p0 $0x0, s1;
	[sflag:s0] =	ssyncset.done @!p0 $0x0  }
0x12e: {  	[sflag:s0] =	ssyncadd.s32 @!p0 s1  }
0x12f: {  	[bflag:$0x3] =	sbarrier.arrive $0xFFFF  }
0x130: {  	_ =	shalt  }

// kernel: kernel.9.cloned.1.call-start
scs
__scs_entry_jumppad:
0x0: {  	(pc) =	sbr.rel $0x88, $3  }
0x1: {  	(tag) =	ssettag $0x0;
	lr =	simm.s32 $0x1  }
0x2: {  	[smem:$0x3F9B] =	sst lr;
	_ =	strace $0xD0000000  }
0x3: {  	_ = 	snop  }
0x4: {  	_ = 	snop  }
0x5: {  	_ = 	snop  }
0x6: {  	_ = 	snop  }
0x7: {  	_ = 	snop  }
__scs_overlays_trampoline_lowered:
0x8: {  	[smem:$0x3FAA] =	sst s0  }
0x9: {  	[smem:$0x3FAB] =	sst s1  }
0xa: {  	[smem:$0x3FAC] =	sst s2  }
0xb: {  	[smem:$0x3FAD] =	sst s3  }
0xc: {  	[smem:$0x3FAE] =	sst s4  }
0xd: {  	[smem:$0x3FAF] =	sst s5  }
0xe: {  	[smem:$0x3FB0] =	sst s6  }
0xf: {  	[smem:$0x3FB1] =	sst s7  }
0x10: {  	[smem:$0x3FB2] =	sst s8  }
0x11: {  	[smem:$0x3FB3] =	sst s9;
	s0 =	simm.s32 @!p0 $0x0  }
0x12: {  	s1 =	sld [smem:$0x3F99];
	s0 =	simm.s32 @p0 $0x1  }
0x13: {  	[smem:$0x3FB4] =	sst s0;
	s0 =	simm.s32 @!p1 $0x0  }
0x14: {  	s2 =	sld [smem:$0x3F98];
	s0 =	simm.s32 @p1 $0x1  }
0x15: {  	[smem:$0x3FB5] =	sst s0;
	s0 =	simm.s32 @!p2 $0x0  }
0x16: {  	s3 =	sld [smem:$0x3FDB];
	s0 =	simm.s32 @p2 $0x1  }
0x17: {  	s4 =	simm.s32 $0x1BF5;
	[smem:$0x3FB7] =	sst s0  }
0x18: {  	s0 =	sld [smem:$0x3F9A];
	_ =	swait.ge [sflag:s4], $0x0  }
0x19: {  	s7 =	sld [smem:$0x3F9B]  }
0x1a: {  	s8 =	sadd.s32 $0xFFFFE003, lr  }
0x1b: {  	s9 =	sadd.s32 $0xFFFFFEF7, lr;
	s5 =	simm.s32 $0xFFFFFFFF;
	p2 =	slt.u32 s8, $0xFFFFF086  }
0x1c: {  	p1 =	slt.u32 s9, $0xF7A;
	s5 =	simm.s32 @!p2 $0x0  }
0x1d: {  	s5 =	simm.s32 @p1 $0x1;
	p0 =	seq.s32 s7, s2  }
0x1e: {  	s7 =	smul.u32 @!p0 $0xF7A, s2;
	p2 =	seq.s32 @!p0 s5, $0x0  }
0x1f: {  	s9 =	smul.u32 $0xF7A, s1;
	s8 =	simm.s32 @!p0 $0x1BF5;
	p2 =	por !p2, p0  }
0x20: {  	[sflag:s8] =	ssyncset.s32 @!p0 $0xFFFFF086;
	s6 =	sadd.s32 @!p0 s3, s7;
	s7 =	simm.s32 @!p0 $0x108  }
0x21: {  	s3 =	sadd.s32 s3, s9;
	s6 =	sadd.s32 @!p0 $0x88, s6;
	s7 =	simm.s32 @p2 $0x1082  }
0x22: {  	[simem:s7], [sflag:s8] =	dma.local @!p0 [hbm:s6], $0xF7A  }
0x23: {  	s9 =	sor.u32 $0xD0000000, s2;
	s6 =	simm.s32 $0x108;
	_ =	swait.ge @!p0 [sflag:s8], $0x0  }
0x24: {  	s3 =	sadd.s32 $0x88, s3;
	s6 =	simm.s32 @!p1 $0x1082;
	[sflag:s4] =	ssyncset.s32 $0xFFFFF086  }
0x25: {  	[simem:s6], [sflag:s4] =	dma.local [hbm:s3], $0xF7A  }
0x26: {  	[smem:$0x3F9B] =	sst s1;
	(tag) =	ssettag s2;
	_ =	strace s9  }
0x27: {  	s1 =	sld [smem:$0x3FAB]  }
0x28: {  	s2 =	sld [smem:$0x3FAC]  }
0x29: {  	s4 =	sld [smem:$0x3FAE]  }
0x2a: {  	p0 =	seq.s32 s5, $0x0;
	s5 =	sld [smem:$0x3FAF]  }
0x2b: {  	s6 =	sld [smem:$0x3FB0]  }
0x2c: {  	s7 =	sld [smem:$0x3FB1]  }
0x2d: {  	s3 =	simm.s32 $0x108;
	s8 =	sld [smem:$0x3FB2]  }
0x2e: {  	s3 =	simm.s32 @!p0 $0x1082;
	s9 =	sld [smem:$0x3FB3]  }
0x2f: {  	lr =	sadd.s32 s0, s3;
	s0 =	sld [smem:$0x3FAA]  }
0x30: {  	s3 =	sld [smem:$0x3FAD]  }
0x31: {  	[smem:$0x3FB6] =	sst s10  }
0x32: {  	s10 =	sld [smem:$0x3FB4];
	_ =	sdelay $0x3  }
0x33: {  	p0 =	seq.s32 s10, $0x1;
	s10 =	sld [smem:$0x3FB6];
	_ =	sdelay $0x3  }
0x34: {  	[smem:$0x3FB6] =	sst s10  }
0x35: {  	s10 =	sld [smem:$0x3FB5];
	_ =	sdelay $0x3  }
0x36: {  	p1 =	seq.s32 s10, $0x1;
	s10 =	sld [smem:$0x3FB6];
	_ =	sdelay $0x3  }
0x37: {  	[smem:$0x3FB6] =	sst s10  }
0x38: {  	s10 =	sld [smem:$0x3FB7]  }
0x39: {  	_ = 	snop;
	(pc) =	sbr.ind lr, $3  }
0x3a: {  	_ = 	snop  }
0x3b: {  	_ = 	snop  }
0x3c: {  	p2 =	seq.s32 s10, $0x1;
	s10 =	sld [smem:$0x3FB6]  }
0x3d: {  	_ =	shalt  }
0x3e: {  	_ =	shalt  }
0x3f: {  	_ =	shalt  }
0x40: {  	_ =	shalt  }
0x41: {  	_ =	shalt  }
0x42: {  	_ =	shalt  }
0x43: {  	_ =	shalt  }
0x44: {  	_ =	shalt  }
0x45: {  	_ =	shalt  }
0x46: {  	_ =	shalt  }
0x47: {  	_ =	shalt  }
0x48: {  	_ =	shalt  }
0x49: {  	_ =	shalt  }
0x4a: {  	_ =	shalt  }
0x4b: {  	_ =	shalt  }
0x4c: {  	_ =	shalt  }
0x4d: {  	_ =	shalt  }
0x4e: {  	_ =	shalt  }
0x4f: {  	_ =	shalt  }
0x50: {  	_ =	shalt  }
0x51: {  	_ =	shalt  }
0x52: {  	_ =	shalt  }
0x53: {  	_ =	shalt  }
0x54: {  	_ =	shalt  }
0x55: {  	_ =	shalt  }
0x56: {  	_ =	shalt  }
0x57: {  	_ =	shalt  }
0x58: {  	_ =	shalt  }
0x59: {  	_ =	shalt  }
0x5a: {  	_ =	shalt  }
0x5b: {  	_ =	shalt  }
0x5c: {  	_ =	shalt  }
0x5d: {  	_ =	shalt  }
0x5e: {  	_ =	shalt  }
0x5f: {  	_ =	shalt  }
0x60: {  	_ =	shalt  }
0x61: {  	_ =	shalt  }
0x62: {  	_ =	shalt  }
0x63: {  	_ =	shalt  }
0x64: {  	_ =	shalt  }
0x65: {  	_ =	shalt  }
0x66: {  	_ =	shalt  }
0x67: {  	_ =	shalt  }
0x68: {  	_ =	shalt  }
0x69: {  	_ =	shalt  }
0x6a: {  	_ =	shalt  }
0x6b: {  	_ =	shalt  }
0x6c: {  	_ =	shalt  }
0x6d: {  	_ =	shalt  }
0x6e: {  	_ =	shalt  }
0x6f: {  	_ =	shalt  }
0x70: {  	_ =	shalt  }
0x71: {  	_ =	shalt  }
0x72: {  	_ =	shalt  }
0x73: {  	_ =	shalt  }
0x74: {  	_ =	shalt  }
0x75: {  	_ =	shalt  }
0x76: {  	_ =	shalt  }
0x77: {  	_ =	shalt  }
0x78: {  	_ =	shalt  }
0x79: {  	_ =	shalt  }
0x7a: {  	_ =	shalt  }
0x7b: {  	_ =	shalt  }
0x7c: {  	_ =	shalt  }
0x7d: {  	_ =	shalt  }
0x7e: {  	_ =	shalt  }
0x7f: {  	_ =	shalt  }
0x80: {  	_ =	shalt  }
0x81: {  	_ =	shalt  }
0x82: {  	_ =	shalt  }
0x83: {  	_ =	shalt  }
0x84: {  	_ =	shalt  }
0x85: {  	_ =	shalt  }
0x86: {  	_ =	shalt  }
0x87: {  	_ =	shalt  }
.Lfunc_end0:
.L_simem_size_0:
called_computation.1_lowered:
.L_overlay_start_0:
0x88: {  	s2 =	sld [smem:$0x3FD9]  }
0x89: {  	s3 =	sld [smem:$0x3FFE];
	_ =	sdelay $0x1  }
0x8a: {  	s1 =	srdreg.scid  }
0x8b: {  	s0 =	sand.u32 $0x1, s1  }
0x8c: {  	s17 =	sshll.u32 s0, $0xA;
	s2 =	sadd.s32 s3, s2  }
0x8d: {  	s2 =	sadd.s32 s2, s17  }
0x8e: {  	[smem:$0x3FC2] =	sst s2  }
0x8f: {  	_ = 	snop  }
0x90: {  	s2 =	sld [smem:$0x3FD0];
	(tm) =	ssettm $0x1  }
0x91: {  	s18 =	sld [smem:$0x3FFB];
	_ =	sdelay $0x3  }
0x92: {  	_ =	strace s18  }
0x93: {  	s3 =	sld [smem:$0x3FFC];
	_ =	sdelay $0x3  }
0x94: {  	_ =	strace s3  }
0x95: {  	s3 =	sld [smem:$0x3FFD];
	_ =	sdelay $0x3  }
0x96: {  	_ =	strace s3  }
0x97: {  	_ =	strace $0x8FFFFFFF  }
0x98: {  	s19 =	sld [smem:$0x3FDB];
	_ =	sdelay $0x1  }
0x99: {  	s4 =	simm.s32 $_scs_section_size  }
0x9a: {  	s5 =	simm.s32 $_size__tile_overlayer_lowered;
	s6 =	simm.s32 $_tile_overlayer_lowered  }
0x9b: {  	s22 =	simm.s32 $0x1BFF;
	s21 =	sshll.u32 s6, $0x1;
	s3 =	sadd.s32 s4, s19  }
0x9c: {  	s7 =	simm.s32 $0x0;
	s20 =	sshll.u32 s5, $0x1;
	s5 =	sadd.s32 s21, s3  }
0x9d: {  	[timem:s7], [sflag:s22] =	dma.local [hbm:s5], s20  }
0x9e: {  	_ =	swait.ge [sflag:s22], s20  }
0x9f: {  	s4 =	ssub.s32 $0x0, s20;
	[sflag:s22] =	ssyncset.done $0x0  }
0xa0: {  	[sflag:s22] =	ssyncadd.s32 s4;
	_ =	sdelay $0x1  }
0xa1: {  	s23 =	simm.s32 $0x1B8B  }
0xa2: {  	_ =	swait.ge [sflag:s23], $0x1  }
0xa3: {  	[sflag:s23] =	ssyncset.done $0x0  }
0xa4: {  	s25 =	simm.s32 $0x1B8E;
	s24 =	sld [smem:$0x3FFE];
	[sflag:s23] =	ssyncadd.s32 $0xFFFFFFFF  }
0xa5: {  	s26 =	simm.s32 $execute0_lowered;
	[smem:$0x3FD2] =	sst s25  }
0xa6: {  	s5 =	sshll.u32 s26, $0x1;
	_ =	strace $0x80000049;
	[dreg:$0x1] =	wrdreg $0xFFFFFFFF  }
0xa7: {  	s28 =	simm.s32 $_size_execute0_lowered;
	s3 =	sadd.s32 s3, s5;
	[dreg:$0x0] =	wrdreg $0x0  }
0xa8: {  	s5 =	sshll.u32 s28, $0x1;
	[dreg:$0x2] =	wrdreg s3  }
0xa9: {  	[dreg:$0x3] =	wrdreg s5  }
0xaa: {  	[dreg:$0x4] =	wrdreg $0xC0  }
0xab: {  	_ =	task [dreg:s7], $0x5FFFF  }
0xac: {  	[dreg:$0x1] =	wrdreg $0xFFFFFFFF  }
0xad: {  	[dreg:$0x0] =	wrdreg $0x60  }
0xae: {  	[dreg:$0x2] =	wrdreg s24  }
0xaf: {  	[dreg:$0x3] =	wrdreg s2  }
0xb0: {  	[dreg:$0x4] =	wrdreg $0x160000  }
0xb1: {  	[dreg:$0x5] =	wrdreg $0x9  }
0xb2: {  	_ =	task.clear_ibuf [dreg:s7], $0x6FFFF;
	_ =	strace $0x90000049  }
0xb3: {  	s29 =	simm.s32 $0x9;
	_ =	strace $0x8000004B  }
0xb4: {  	_ =	swait.ge [sflag:s29], $0x1  }
0xb5: {  	[sflag:s29] =	ssyncadd.s32 $0xFFFFFFFF  }
0xb6: {  	_ =	strace $0x9000004B  }
0xb7: {  	_ =	sfence  }
0xb8: {  	s30 =	sld [smem:$0x0];
	_ =	sdelay $0x2  }
0xb9: {  	s31 =	sshll.u32 s1, $0xD;
	s1 =	sshrl.u32 s1, $0x2  }
0xba: {  	s3 =	sand.u32 $0x4000, s31;
	s1 =	sadd.s32 s1, s30  }
0xbb: {  	s0 =	sor.u32 s3, s0;
	s1 =	sshll.u32 s1, $0x11  }
0xbc: {  	s0 =	sor.u32 s1, s0  }
0xbd: {  	s0 =	sadd.s32 $0x8F2B, s0  }
0xbe: {  	[sflag:s0] =	ssyncadd.remote.s32 $0x1  }
0xbf: {  	_ =	sfence.sel $0xFFFF  }
0xc0: {  	[dreg:$0x0] =	wrdreg $0xFFFFFFFF;
	(pc) =	sbr.abs _section_cstart, $3  }
0xc1: {  	[dreg:$0x1] =	wrdreg $0xFFFFFFFF  }
0xc2: {  	_ =	task.clear_ibuf [dreg:s7], $0x2FFFF;
	_ =	strace $0x9FFFFFFF  }
0xc3: {  	(tm) =	ssettm $0x7FFFFFFF  }
tec
execute0_lowered:
.L_overlay_start_1:
0x0: {  	(tag) =	ssettag $0x1  }
0x1: {  	s0 =	rddreg [dreg:$0x0]  }
0x2: {  	s3 =	rddreg [dreg:$0x1]  }
0x3: {  	s1 =	rddreg [dreg:$0x2]  }
0x4: {  	s2 =	simm.s32 $0x0;
	s4 =	srdreg.scid;
	s9 =	stileid.u32  }
0x5: {  	s28 =	simm.s32 $0x80;
	s29 =	simm.s32 $0x1;
	s30 =	simm.s32 $0x0  }
0x6: {  	s31 =	simm.s32 $0x0;
	[smem:$0x7FF] =	sst s2;
	s6 =	smul.u32 $0xA00, s9  }
0x7: {  	s4 =	sand.u32 $0x1, s4;
	s19 =	sadd.s32 $0x14E00, s0;
	s15 =	smul.u32 $0xA000, s9  }
0x8: {  	s5 =	smul.u32 $0x14000, s4;
	_ =	strace $0x8000004A;
	[dreg:$0x4] =	wrdreg s19  }
0x9: {  	s20 =	ssub.s32 $0x2, s4;
	s19 =	sadd.s32 $0x3D800, s0;
	s4 =	smul.u32 $0xA0000, s4  }
0xa: {  	s7 =	sadd.s32 s6, s0;
	s8 =	sshrl.u32 s20, $0x1;
	s6 =	sadd.s32 s3, s6  }
0xb: {  	s22 =	sadd.s32 $0x2000, s15;
	s9 =	sadd.s32 s15, s1;
	s23 =	sadd.s32 $0x4000, s15  }
0xc: {  	s17 =	sadd.s32 $0x6000, s15;
	s18 =	sadd.s32 $0x8000, s15;
	s14 =	sadd.s32 s5, s0  }
0xd: {  	s20 =	ssub.s32 s20, s8;
	s21 =	sadd.s32 $0xAE00, s7;
	s7 =	sadd.s32 $0xE00, s7  }
0xe: {  	s8 =	sadd.s32 $0x15300, s0;
	s10 =	sadd.s32 s22, s1;
	s11 =	sadd.s32 s23, s1  }
0xf: {  	s12 =	sadd.s32 s17, s1;
	s13 =	sadd.s32 s18, s1;
	s15 =	sadd.s32 s15, s4  }
0x10: {  	s3 =	sadd.s32 s4, s22;
	s0 =	sadd.s32 s4, s23;
	s24 =	sadd.s32 s4, s17  }
0x11: {  	s4 =	sadd.s32 s4, s18;
	s22 =	simm.s32 $0x2;
	[dreg:$0x5] =	wrdreg s21  }
0x12: {  	s14 =	sadd.s32 $0x15800, s14;
	s15 =	sshrl.u32 s15, $0x3;
	s3 =	sshrl.u32 s3, $0x3  }
0x13: {  	s0 =	sshrl.u32 s0, $0x3;
	s25 =	sshrl.u32 s24, $0x3;
	s26 =	sshrl.u32 s4, $0x3  }
0x14: {  	s20 =	smax.u32 s20, $0x1;
	s21 =	simm.s32 $0xA000;
	s24 =	simm.s32 $0xF000  }
0x15: {  	s15 =	sadd.s32 s19, s15;
	s16 =	sadd.s32 s19, s3;
	s17 =	sadd.s32 s19, s0  }
0x16: {  	v0 =	vimm.f32 $0.0e+00;
	s18 =	sadd.s32 s19, s25;
	s19 =	sadd.s32 s19, s26;
	s26 =	simm.s32 $0x14000  }
.LBB2_1:
0x17: {  	s0 =	rddreg [dreg:$0x5]  }
0x18: {  	[tilespmem:s21], [sflag:$0x2] =	stream.linear.gather [hbm4b:s0+s2], $0x5000, $0x38;
	v63 =	vld [tilespmem:$0x0]  }
0x19: {  	_ =	swait.ge [sflag:s22], $0x5000  }
0x1a: {  	[sflag:s22] =	ssyncset.done $0x0  }
0x1b: {  	[sflag:s22] =	ssyncadd.s32 $0xFFFFB000  }
0x1c: {  	[tilespmem:s2], [sflag:$0x2] =	stream.linear.gather [hbm4b:s6+s2], $0x5000, $0x38;
	v63 =	vld [tilespmem:$0x0]  }
0x1d: {  	_ =	swait.ge [sflag:s22], $0x5000  }
0x1e: {  	[sflag:s22] =	ssyncset.done $0x0  }
0x1f: {  	s5 =	simm.s32 $0x5000;
	[sflag:s22] =	ssyncadd.s32 $0xFFFFB000  }
0x20: {  	[tilespmem:s5], [sflag:$0x2] =	stream.linear.gather [hbm4b:s7+s2], $0x5000, $0x38;
	v63 =	vld [tilespmem:$0x0]  }
0x21: {  	_ =	swait.ge [sflag:s22], $0x5000  }
0x22: {  	[sflag:s22] =	ssyncset.done $0x0  }
0x23: {  	s23 =	rddreg [dreg:$0x4];
	[sflag:s22] =	ssyncadd.s32 $0xFFFFB000  }
0x24: {  	[tilespmem:s24], [sflag:$0x2] =	stream.linear.gather [hbm4b:s23+s2], $0x2800, $0x38;
	v63 =	vld [tilespmem:$0x0]  }
0x25: {  	_ =	swait.ge [sflag:s22], $0x2800  }
0x26: {  	[sflag:s22] =	ssyncset.done $0x0  }
0x27: {  	s25 =	simm.s32 $0x11800;
	[sflag:s22] =	ssyncadd.s32 $0xFFFFD800  }
0x28: {  	[tilespmem:s25], [sflag:$0x2] =	stream.linear.gather [hbm4b:s8+s2], $0x2800, $0x38;
	v63 =	vld [tilespmem:$0x0]  }
0x29: {  	_ =	swait.ge [sflag:s22], $0x2800  }
0x2a: {  	[sflag:s22] =	ssyncset.done $0x0  }
0x2b: {  	s0 =	simm.s32 $0x0;
	[sflag:s22] =	ssyncadd.s32 $0xFFFFD800  }
0x2c: {  	s3 =	simm.s32 $0x40;
	v1 =	vld [tilespmem:s0+$0x11800]  }
.LBB2_2:
0x2d: {  	p0 =	sne.s32 s3, $0x9FC0;
	v2 =	vld [tilespmem:s0+$0xF000];
	_ =	sdelay $0x4  }
.Ltmp0:
0x2e: {  	v1 =	vadd.f32 v1, v2;
	(pc) =	sbr.rel @p0 .LBB2_2-.Ltmp0, $4  }
0x2f: {  	_ = 	snop  }
0x30: {  	v2 =	vadd.f32 $1.000000020e-16, v1  }
0x31: {  	s4 =	sshra.s32 s3, $0x2  }
0x32: {  	s3 =	sadd.s32 $0x40, s3;
	v1 =	vld [tilespmem:s4+$0x11800];
	[tilespmem:s0+$0xF000] =	vst v2;
	s0 =	smov.u32 s4  }
0x33: {  	v2 =	vld [tilespmem:s0+$0xF000];
	_ =	sdelay $0x4  }
0x34: {  	v1 =	vadd.f32 v1, v2;
	_ =	sdelay $0x1  }
0x35: {  	v1 =	vadd.f32 $1.000000020e-16, v1;
	_ =	sdelay $0x1  }
0x36: {  	s3 =	simm.s32 $0x100;
	[tilespmem:s0+$0xF000] =	vst v1;
	s0 =	simm.s32 $0x0  }
.LBB2_4:
0x37: {  	p0 =	sne.s32 s3, $0x7F00;
	[tilespmem:s0+$0x14030] =	vst v0;
	s4 =	smov.u32 s3;
	s3 =	sadd.s32 $0x100, s3  }
.Ltmp1:
0x38: {  	[tilespmem:s0+$0x14020] =	vst v0;
	(pc) =	sbr.rel @p0 .LBB2_4-.Ltmp1, $3  }
0x39: {  	[tilespmem:s0+$0x14000] =	vst v0  }
0x3a: {  	[tilespmem:s0+$0x14010] =	vst v0;
	_ =	sdelay $0x1  }
0x3b: {  	s0 =	sshra.s32 s4, $0x2  }
0x3c: {  	[tilespmem:s0+$0x14030] =	vst v0  }
0x3d: {  	[tilespmem:s0+$0x14020] =	vst v0  }
0x3e: {  	[tilespmem:s0+$0x14000] =	vst v0  }
0x3f: {  	[tilespmem:s0+$0x14010] =	vst v0  }
0x40: {  	[spmem:s9] =	stream.linear.scatter [tilespmem:s26], [sflag:$0x2], $0x2000, $0x38;
	v63 =	vld [tilespmem:$0x0]  }
0x41: {  	_ =	swait.ge [sflag:s22], $0x2000  }
0x42: {  	[sflag:s22] =	ssyncset.done $0x0  }
0x43: {  	[sflag:s22] =	ssyncadd.s32 $0xFFFFE000  }
0x44: {  	[spmem:s10] =	stream.linear.scatter [tilespmem:s26], [sflag:$0x2], $0x2000, $0x38;
	v63 =	vld [tilespmem:$0x0]  }
0x45: {  	_ =	swait.ge [sflag:s22], $0x2000  }
0x46: {  	[sflag:s22] =	ssyncset.done $0x0  }
0x47: {  	[sflag:s22] =	ssyncadd.s32 $0xFFFFE000  }
0x48: {  	[spmem:s11] =	stream.linear.scatter [tilespmem:s26], [sflag:$0x2], $0x2000, $0x38;
	v63 =	vld [tilespmem:$0x0]  }
0x49: {  	_ =	swait.ge [sflag:s22], $0x2000  }
0x4a: {  	[sflag:s22] =	ssyncset.done $0x0  }
0x4b: {  	[sflag:s22] =	ssyncadd.s32 $0xFFFFE000  }
0x4c: {  	[spmem:s12] =	stream.linear.scatter [tilespmem:s26], [sflag:$0x2], $0x2000, $0x38;
	v63 =	vld [tilespmem:$0x0]  }
0x4d: {  	_ =	swait.ge [sflag:s22], $0x2000  }
0x4e: {  	[sflag:s22] =	ssyncset.done $0x0  }
0x4f: {  	[sflag:s22] =	ssyncadd.s32 $0xFFFFE000  }
0x50: {  	[spmem:s13] =	stream.linear.scatter [tilespmem:s26], [sflag:$0x2], $0x2000, $0x38;
	v63 =	vld [tilespmem:$0x0]  }
0x51: {  	_ =	swait.ge [sflag:s22], $0x2000  }
0x52: {  	[sflag:s22] =	ssyncset.done $0x0  }
0x53: {  	[sflag:s22] =	ssyncadd.s32 $0xFFFFE000  }
0x54: {  	s0 =	simm.s32 $0x0;
	[bflag:$0x0] =	sbarrier.arrive $0xFFFF  }
.LBB2_6:
0x55: {  	s3 =	sshll.u32 s0, $0x7  }
0x56: {  	[tilespmem:s26], [sflag:$0x1] =	stream.indirect.gather [hbm4b:s14+s28], $0x40, s3, s28, $0xb8;
	v63 =	vld [tilespmem:$0x0]  }
0x57: {  	_ =	swait.ge [sflag:s29], $0x2000  }
0x58: {  	[sflag:s29] =	ssyncset.done $0x0  }
0x59: {  	[sflag:s29] =	ssyncadd.s32 $0xFFFFE000  }
0x5a: {  	v1 =	vld [tilespmem:s3+$0x5000];
	_ =	sdelay $0x7  }
0x5b: {  	v1 =	vld.idx.msk [tilespmem:v1+s24+$0x0], $0xffff;
	_ =	sdelay $0x4  }
0x5c: {  	(erf) = vrcp.f32 v1;
	_ =	sdelay $0x3  }
0x5d: {  	v2 =	vld [tilespmem:s3+$0x5010]  }
0x5e: {  	v1 =	vld [tilespmem:s3+$0xA000];
	_ =	sdelay $0x3  }
0x5f: {  	v3 =	vpop (erf)  }
0x60: {  	v1 =	vmul.f32 v3, v1;
	_ =	sdelay $0x1  }
0x61: {  	[tilespmem:s3+$0xA000] =	vst v1  }
0x62: {  	v1 =	vld.idx.msk [tilespmem:v2+s24+$0x0], $0xffff;
	_ =	sdelay $0x4  }
0x63: {  	(erf) = vrcp.f32 v1;
	_ =	sdelay $0x3  }
0x64: {  	v2 =	vld [tilespmem:s3+$0x5020]  }
0x65: {  	v1 =	vld [tilespmem:s3+$0xA010];
	_ =	sdelay $0x3  }
0x66: {  	v3 =	vpop (erf)  }
0x67: {  	v1 =	vmul.f32 v3, v1;
	_ =	sdelay $0x1  }
0x68: {  	[tilespmem:s3+$0xA010] =	vst v1  }
0x69: {  	v1 =	vld.idx.msk [tilespmem:v2+s24+$0x0], $0xffff;
	_ =	sdelay $0x4  }
0x6a: {  	(erf) = vrcp.f32 v1;
	_ =	sdelay $0x3  }
0x6b: {  	v2 =	vld [tilespmem:s3+$0x5030]  }
0x6c: {  	v1 =	vld [tilespmem:s3+$0xA020];
	_ =	sdelay $0x3  }
0x6d: {  	v3 =	vpop (erf)  }
0x6e: {  	v1 =	vmul.f32 v3, v1;
	_ =	sdelay $0x1  }
0x6f: {  	[tilespmem:s3+$0xA020] =	vst v1  }
0x70: {  	v1 =	vld.idx.msk [tilespmem:v2+s24+$0x0], $0xffff;
	_ =	sdelay $0x4  }
0x71: {  	(erf) = vrcp.f32 v1;
	_ =	sdelay $0x3  }
0x72: {  	v2 =	vld [tilespmem:s3+$0x5040]  }
0x73: {  	v1 =	vld [tilespmem:s3+$0xA030];
	_ =	sdelay $0x3  }
0x74: {  	v3 =	vpop (erf)  }
0x75: {  	v1 =	vmul.f32 v3, v1;
	_ =	sdelay $0x1  }
0x76: {  	[tilespmem:s3+$0xA030] =	vst v1  }
0x77: {  	v1 =	vld.idx.msk [tilespmem:v2+s24+$0x0], $0xffff;
	_ =	sdelay $0x4  }
0x78: {  	(erf) = vrcp.f32 v1;
	_ =	sdelay $0x3  }
0x79: {  	v2 =	vld [tilespmem:s3+$0x5050]  }
0x7a: {  	v1 =	vld [tilespmem:s3+$0xA040];
	_ =	sdelay $0x3  }
0x7b: {  	v3 =	vpop (erf)  }
0x7c: {  	v1 =	vmul.f32 v3, v1;
	_ =	sdelay $0x1  }
0x7d: {  	[tilespmem:s3+$0xA040] =	vst v1  }
0x7e: {  	v1 =	vld.idx.msk [tilespmem:v2+s24+$0x0], $0xffff;
	_ =	sdelay $0x4  }
0x7f: {  	(erf) = vrcp.f32 v1;
	_ =	sdelay $0x3  }
0x80: {  	v2 =	vld [tilespmem:s3+$0x5060]  }
0x81: {  	v1 =	vld [tilespmem:s3+$0xA050];
	_ =	sdelay $0x3  }
0x82: {  	v3 =	vpop (erf)  }
0x83: {  	v1 =	vmul.f32 v3, v1;
	_ =	sdelay $0x1  }
0x84: {  	[tilespmem:s3+$0xA050] =	vst v1  }
0x85: {  	v1 =	vld.idx.msk [tilespmem:v2+s24+$0x0], $0xffff;
	_ =	sdelay $0x4  }
0x86: {  	(erf) = vrcp.f32 v1;
	_ =	sdelay $0x3  }
0x87: {  	v2 =	vld [tilespmem:s3+$0x5070]  }
0x88: {  	v1 =	vld [tilespmem:s3+$0xA060];
	_ =	sdelay $0x3  }
0x89: {  	v3 =	vpop (erf)  }
0x8a: {  	v1 =	vmul.f32 v3, v1;
	_ =	sdelay $0x1  }
0x8b: {  	[tilespmem:s3+$0xA060] =	vst v1  }
0x8c: {  	v1 =	vld.idx.msk [tilespmem:v2+s24+$0x0], $0xffff;
	_ =	sdelay $0x4  }
0x8d: {  	(erf) = vrcp.f32 v1;
	_ =	sdelay $0x3  }
0x8e: {  	v3 =	vmov s31  }
0x8f: {  	v3 =	vand.u32 $0x7F, v3;
	v2 =	vld [tilespmem:s3+$0xA070];
	v1 =	vmov s3  }
0x90: {  	v3 =	vor.u32 v1, v3  }
0x91: {  	v3 =	vbroadcast v3, $0x0;
	_ =	sdelay $0x1  }
0x92: {  	v4 =	vpop (erf)  }
0x93: {  	v2 =	vmul.f32 v4, v2;
	_ =	sdelay $0x1  }
0x94: {  	[tilespmem:s3+$0xA070] =	vst v2  }
0x95: {  	s23 =	simm.s32 $0x14020;
	v3 =	vld.idx.msk [tilespmem:v3+s21+$0x0], $0xffff  }
0x96: {  	v5 =	vld [tilespmem:s23+$0x10];
	_ =	sdelay $0x1  }
0x97: {  	v4 =	vld [tilespmem:s23+$0xFFFFFFF0]  }
0x98: {  	s4 =	simm.s32 $0x1;
	v7 =	vld [tilespmem:s23+$0x0]  }
0x99: {  	v2 =	vmov s4  }
0x9a: {  	v2 =	vand.u32 $0x7F, v2;
	v6 =	vmul.f32 v5, v3;
	v5 =	vld [tilespmem:s23+$0xFFFFFFE0]  }
0x9b: {  	v2 =	vor.u32 v1, v2  }
0x9c: {  	v2 =	vbroadcast v2, $0x0  }
0x9d: {  	s25 =	simm.s32 $0x14020;
	s3 =	sadd.s32 $0x5000, s3;
	s4 =	simm.s32 $0x2;
	v4 =	vmul.f32 v4, v3;
	v7 =	vmul.f32 v7, v3  }
.LBB2_7:
0x9e: {  	p0 =	sne.s32 s4, $0x7F  }
0x9f: {  	v3 =	vmul.f32 v5, v3;
	[tilespmem:s23+$0x10] =	vst v6;
	s25 =	sadd.s32 $0x40, s25;
	s5 =	smov.u32 s4;
	s4 =	sadd.s32 $0x1, s4  }
0xa0: {  	[tilespmem:s23+$0x0] =	vst v7  }
0xa1: {  	[tilespmem:s23+$0xFFFFFFE0] =	vst v3  }
0xa2: {  	v7 =	vld [tilespmem:s25+$0xFFFFFFF0];
	[tilespmem:s23+$0xFFFFFFF0] =	vst v4;
	s23 =	smov.u32 s25  }
0xa3: {  	v3 =	vld.idx.msk [tilespmem:v2+s21+$0x0], $0xffff  }
0xa4: {  	v4 =	vld [tilespmem:s25+$0x10]  }
0xa5: {  	v8 =	vld [tilespmem:s25+$0x0]  }
.Ltmp2:
0xa6: {  	v2 =	vmov s5;
	v5 =	vld [tilespmem:s25+$0xFFFFFFE0];
	(pc) =	sbr.rel @p0 .LBB2_7-.Ltmp2, $4  }
0xa7: {  	v2 =	vand.u32 $0x7F, v2  }
0xa8: {  	v2 =	vor.u32 v1, v2  }
0xa9: {  	v2 =	vbroadcast v2, $0x0;
	v6 =	vmul.f32 v4, v3  }
0xaa: {  	v4 =	vmul.f32 v7, v3;
	v7 =	vmul.f32 v8, v3  }
0xab: {  	v1 =	vmul.f32 v5, v3;
	[tilespmem:s23+$0x10] =	vst v6  }
0xac: {  	[tilespmem:s23+$0x0] =	vst v7  }
0xad: {  	s4 =	sadd.s32 $0x40, s25;
	[tilespmem:s23+$0xFFFFFFE0] =	vst v1  }
0xae: {  	v1 =	vld [tilespmem:s4+$0xFFFFFFF0];
	[tilespmem:s23+$0xFFFFFFF0] =	vst v4  }
0xaf: {  	v2 =	vld.idx.msk [tilespmem:v2+s21+$0x0], $0xffff  }
0xb0: {  	v3 =	vld [tilespmem:s4+$0x10]  }
0xb1: {  	v4 =	vld [tilespmem:s4+$0x0]  }
0xb2: {  	v62 =	vld [tilespmem:s4+$0xFFFFFFE0];
	_ =	sdelay $0x2  }
0xb3: {  	v3 =	vmul.f32 v3, v2  }
0xb4: {  	v4 =	vmul.f32 v4, v2  }
0xb5: {  	v5 =	vmul.f32 v62, v2;
	[tilespmem:s4+$0x10] =	vst v3  }
0xb6: {  	s0 =	sadd.s32 $0x1, s0;
	v1 =	vmul.f32 v1, v2;
	[tilespmem:s4+$0x0] =	vst v4  }
0xb7: {  	p0 =	sne.s32 s0, $0xA0;
	[tilespmem:s4+$0xFFFFFFE0] =	vst v5  }
.Ltmp3:
0xb8: {  	[tilespmem:s4+$0xFFFFFFF0] =	vst v1;
	(pc) =	sbr.rel @p0 .LBB2_6-.Ltmp3, $4  }
0xb9: {  	[spmem:s1] =	stream.indirect.scatter.add.f32 [tilespmem:s26], [sflag:$0x2], $0x40, s3, s28, $0xb8;
	v63 =	vld [tilespmem:$0x0]  }
0xba: {  	_ =	swait.ge [sflag:s22], $0x2000  }
0xbb: {  	[sflag:s22] =	ssyncset.done $0x0  }
0xbc: {  	[sflag:s22] =	ssyncadd.s32 $0xFFFFE000  }
0xbd: {  	[bflag:$0x0] =	sbarrier.arrive $0xFFFF  }
0xbe: {  	[tilespmem:s26], [sflag:$0x2] =	stream.linear.gather [spmem:s9], $0x2000, $0x38;
	v63 =	vld [tilespmem:$0x0]  }
0xbf: {  	_ =	swait.ge [sflag:s22], $0x2000  }
0xc0: {  	[sflag:s22] =	ssyncset.done $0x0  }
0xc1: {  	[sflag:s22] =	ssyncadd.s32 $0xFFFFE000  }
0xc2: {  	[hbm4b:s15+s2] =	stream.linear.scatter [tilespmem:s26], [sflag:$0x2], $0x2000, $0x38;
	v63 =	vld [tilespmem:$0x0]  }
0xc3: {  	_ =	swait.ge [sflag:s22], $0x2000  }
0xc4: {  	[sflag:s22] =	ssyncset.done $0x0  }
0xc5: {  	[sflag:s22] =	ssyncadd.s32 $0xFFFFE000  }
0xc6: {  	[tilespmem:s26], [sflag:$0x2] =	stream.linear.gather [spmem:s10], $0x2000, $0x38;
	v63 =	vld [tilespmem:$0x0]  }
0xc7: {  	_ =	swait.ge [sflag:s22], $0x2000  }
0xc8: {  	[sflag:s22] =	ssyncset.done $0x0  }
0xc9: {  	[sflag:s22] =	ssyncadd.s32 $0xFFFFE000  }
0xca: {  	[hbm4b:s16+s2] =	stream.linear.scatter [tilespmem:s26], [sflag:$0x2], $0x2000, $0x38;
	v63 =	vld [tilespmem:$0x0]  }
0xcb: {  	_ =	swait.ge [sflag:s22], $0x2000  }
0xcc: {  	[sflag:s22] =	ssyncset.done $0x0  }
0xcd: {  	[sflag:s22] =	ssyncadd.s32 $0xFFFFE000  }
0xce: {  	[tilespmem:s26], [sflag:$0x2] =	stream.linear.gather [spmem:s11], $0x2000, $0x38;
	v63 =	vld [tilespmem:$0x0]  }
0xcf: {  	_ =	swait.ge [sflag:s22], $0x2000  }
0xd0: {  	[sflag:s22] =	ssyncset.done $0x0  }
0xd1: {  	[sflag:s22] =	ssyncadd.s32 $0xFFFFE000  }
0xd2: {  	[hbm4b:s17+s2] =	stream.linear.scatter [tilespmem:s26], [sflag:$0x2], $0x2000, $0x38;
	v63 =	vld [tilespmem:$0x0]  }
0xd3: {  	_ =	swait.ge [sflag:s22], $0x2000  }
0xd4: {  	[sflag:s22] =	ssyncset.done $0x0  }
0xd5: {  	[sflag:s22] =	ssyncadd.s32 $0xFFFFE000  }
0xd6: {  	[tilespmem:s26], [sflag:$0x2] =	stream.linear.gather [spmem:s12], $0x2000, $0x38;
	v63 =	vld [tilespmem:$0x0]  }
0xd7: {  	_ =	swait.ge [sflag:s22], $0x2000  }
0xd8: {  	[sflag:s22] =	ssyncset.done $0x0  }
0xd9: {  	[sflag:s22] =	ssyncadd.s32 $0xFFFFE000  }
0xda: {  	[hbm4b:s18+s2] =	stream.linear.scatter [tilespmem:s26], [sflag:$0x2], $0x2000, $0x38;
	v63 =	vld [tilespmem:$0x0]  }
0xdb: {  	_ =	swait.ge [sflag:s22], $0x2000  }
0xdc: {  	[sflag:s22] =	ssyncset.done $0x0  }
0xdd: {  	[sflag:s22] =	ssyncadd.s32 $0xFFFFE000  }
0xde: {  	[tilespmem:s26], [sflag:$0x2] =	stream.linear.gather [spmem:s13], $0x2000, $0x38;
	v63 =	vld [tilespmem:$0x0]  }
0xdf: {  	s30 =	sadd.s32 $0x1, s30;
	_ =	swait.ge [sflag:s22], $0x2000  }
0xe0: {  	p0 =	sne.s32 s30, s20;
	[sflag:s22] =	ssyncset.done $0x0  }
.Ltmp4:
0xe1: {  	[sflag:s22] =	ssyncadd.s32 $0xFFFFE000;
	(pc) =	sbr.rel @p0 .LBB2_1-.Ltmp4, $4  }
0xe2: {  	[hbm4b:s19+s2] =	stream.linear.scatter [tilespmem:s26], [sflag:$0x2], $0x2000, $0x38;
	v63 =	vld [tilespmem:$0x0]  }
0xe3: {  	_ =	swait.ge [sflag:s22], $0x2000  }
0xe4: {  	[sflag:s22] =	ssyncset.done $0x0  }
0xe5: {  	[sflag:s22] =	ssyncadd.s32 $0xFFFFE000  }
0xe6: {  	_ =	sfence.sel $0x180000  }
0xe7: {  	[bflag:$0x0] =	sbarrier.arrive $0xFFFF  }
0xe8: {  	_ =	strace $0x9000004A  }
0xe9: {  	s0 =	stileid.u32;
	[bflag:$0x2] =	sbarrier.arrive $0xFFFF  }
0xea: {  	p0 =	sne.s32 s0, $0x0;
	s0 =	rddreg [dreg:$0x3]  }
0xeb: {  	s0 =	sadd.s32 @!p0 $0x100000, s0  }
0xec: {  	[sflag:s0] =	ssyncadd.tile.s32 @!p0 $0x1;
	_ =	shalt  }
.Lfunc_end2:
_tile_overlayer_lowered:
.L_overlay_start_2:
0xed: {  	(tag) =	ssettag $0x2  }
0xee: {  	s0 =	rddreg [dreg:$0x0];
	s2 =	stileid.u32  }
0xef: {  	s1 =	rddreg [dreg:$0x1];
	p0 =	sne.s32 s2, $0x0  }
0xf0: {  	s3 =	rddreg [dreg:$0x2];
	[bflag:$0x3] =	sbarrier.arrive $0xFFFF;
	s2 =	simm.s32 @!p0 $0x1C02  }
0xf1: {  	[timem:s3], [sflag:s2] =	dma.local @!p0 [hbm:s0], s1  }
0xf2: {  	s0 =	simm.s32 @!p0 $0x2  }
0xf3: {  	_ =	swait.ge @!p0 [sflag:s0], s1  }
0xf4: {  	s1 =	ssub.s32 @!p0 $0x0, s1;
	[sflag:s0] =	ssyncset.done @!p0 $0x0  }
0xf5: {  	[sflag:s0] =	ssyncadd.s32 @!p0 s1  }
0xf6: {  	[bflag:$0x3] =	sbarrier.arrive $0xFFFF  }
0xf7: {  	_ =	shalt  }

</sc_bundles>
